<compile_context>
chip_gen: v7x
topology: tpu7x:2x2x1
jax: 0.10.2.dev20260603
libtpu: 0.0.44.dev20260713+nightly
codegen_flags: <defaults>
</compile_context>

<pallas_src>
import functools

import jax
import jax.numpy as jnp
from jax import lax
from jax.experimental import pallas as pl
from jax.experimental.pallas import tpu as pltpu
from jax.experimental.pallas import tpu_sc as plsc

_K_PERCENT = 0.2
_B = 64
_N = 32768
_NVEC = _N // 16
_NBINS = 256
_UNROLL = 8
_SC_ROWS = 32
_TC_ROWS = _B - _SC_ROWS
_TC_BLOCK = 8




def _scan_hist2(hist_ref, thresh_a, thresh_b, nbins):

    def body(b, carry):
        P, bfa, Pba, cfa, bfb, Pbb, cfb = carry
        v = hist_ref[pl.ds(b * 16, 16)]
        c = jnp.sum(v)
        Pn = P + c
        hita = jnp.logical_and(bfa < 0, Pn > thresh_a)
        bfa = jnp.where(hita, b, bfa)
        Pba = jnp.where(hita, Pn, Pba)
        cfa = jnp.where(hita, c, cfa)
        hitb = jnp.logical_and(bfb < 0, Pn > thresh_b)
        bfb = jnp.where(hitb, b, bfb)
        Pbb = jnp.where(hitb, Pn, Pbb)
        cfb = jnp.where(hitb, c, cfb)
        return Pn, bfa, Pba, cfa, bfb, Pbb, cfb

    z = jnp.int32(0)
    neg = jnp.int32(-1)
    _, bfa, Pba, cfa, bfb, Pbb, cfb = lax.fori_loop(
        0, nbins, body, (z, neg, z, z, neg, z, z))
    return (bfa, Pba, cfa), (bfb, Pbb, cfb)


def _zero_hist(hist_ref, nbins):
    @plsc.parallel_loop(0, nbins, unroll=8)
    def body(i):
        hist_ref[pl.ds(i * 16, 16)] = jnp.zeros((16,), jnp.int32)


def _sc_body(pred_hbm, targ_hbm, out_hbm, targ_v, pred_v, key_v, hist_t,
             hist_b, stage_v, sem, *, k, row_base):
    wid = lax.axis_index("s") * 2 + lax.axis_index("c")
    lane = lax.iota(jnp.int32, 16)
    ones = jnp.ones((16,), jnp.int32)

    row = row_base + wid
    pcopy = pltpu.async_copy(pred_hbm.at[row], pred_v, sem)
    pltpu.sync_copy(targ_hbm.at[row], targ_v)

    _zero_hist(hist_t, _NBINS)

    @plsc.parallel_loop(0, _NVEC, unroll=_UNROLL)
    def pass1(i):
        off = i * 16
        v = targ_v[pl.ds(off, 16)]
        u = plsc.bitcast(v, jnp.uint32)
        flip = jnp.where((u >> 31) == jnp.uint32(1),
                         jnp.uint32(0xFFFFFFFF), jnp.uint32(0x80000000))
        key = (u ^ flip) >> 20
        key_v[pl.ds(off, 16)] = key
        d = plsc.bitcast(key >> 4, jnp.int32)
        plsc.addupdate_scatter(hist_t, [(d << 4) + lane], ones)

    n = jnp.int32(_N)
    kk = jnp.int32(k)
    (bt, Pt, ct), (bb, Pb_, cb) = _scan_hist2(hist_t, n - kk, kk - 1, _NBINS)
    k_t = kk - (n - Pt)
    m_t = ct
    k_b = kk - (Pb_ - cb)
    pre_t = bt
    pre_b = bb

    _zero_hist(hist_t, 16)
    _zero_hist(hist_b, 16)
    pt_s = pre_t
    pb_s = pre_b

    @plsc.parallel_loop(0, _NVEC, unroll=_UNROLL)
    def passd(i):
        off = i * 16
        key = key_v[pl.ds(off, 16)]
        pf = plsc.bitcast(key, jnp.int32)
        d = pf & 0xF
        pre = pf >> 4
        idx = (d << 4) + lane
        plsc.addupdate_scatter(hist_t, [idx], ones, mask=pre == pt_s)
        plsc.addupdate_scatter(hist_b, [idx], ones, mask=pre == pb_s)

    (bt, Pt, ct), _ = _scan_hist2(hist_t, m_t - k_t, m_t - k_t, 16)
    k_t = k_t - (m_t - Pt)
    pre_t = (pre_t << 4) | bt
    (bb, Pb_, cb), _ = _scan_hist2(hist_b, k_b - 1, k_b - 1, 16)
    k_b = k_b - (Pb_ - cb)
    pre_b = (pre_b << 4) | bb

    t_top = pre_t.astype(jnp.uint32)
    t_bot = pre_b.astype(jnp.uint32)
    c_eq_t = ct
    c_eq_b = cb

    pcopy.wait()

    zf = jnp.zeros((16,), jnp.float32)

    @plsc.parallel_loop(0, _NVEC, unroll=_UNROLL, carry=(zf, zf, zf, zf))
    def sumpass(i, carry):
        s_gt, s_et, s_lt, s_eb = carry
        off = i * 16
        key = key_v[pl.ds(off, 16)]
        p = pred_v[pl.ds(off, 16)]
        s_gt = s_gt + jnp.where(key > t_top, p, 0.0)
        s_et = s_et + jnp.where(key == t_top, p, 0.0)
        s_lt = s_lt + jnp.where(key < t_bot, p, 0.0)
        s_eb = s_eb + jnp.where(key == t_bot, p, 0.0)
        return s_gt, s_et, s_lt, s_eb

    s_gt, s_et, s_lt, s_eb = sumpass

    def vrecip(c):
        cf = jnp.broadcast_to(c.astype(jnp.float32), (16,))
        b = plsc.bitcast(cf, jnp.uint32)
        r = plsc.bitcast(jnp.uint32(0x7EF127EA) - b, jnp.float32)
        for _ in range(3):
            r = r * (2.0 - cf * r)
        return r

    inv_k = 1.0 / float(k)
    top_sum = (jnp.sum(s_gt)
               + k_t.astype(jnp.float32) * jnp.sum(s_et) * vrecip(c_eq_t))
    bot_sum = (jnp.sum(s_lt)
               + k_b.astype(jnp.float32) * jnp.sum(s_eb) * vrecip(c_eq_b))
    margin = jnp.maximum(1.0 - (top_sum - bot_sum) * inv_k, 0.0)
    stage_v[...] = margin
    pltpu.sync_copy(stage_v, out_hbm.at[wid])


def _sc_margins(predictions, targets, k, row_base, num_rows):
    mesh = plsc.VectorSubcoreMesh(core_axis_name="c", subcore_axis_name="s",
                                  num_cores=2, num_subcores=16)
    body = functools.partial(_sc_body, k=k, row_base=row_base)
    return pl.kernel(
        body,
        out_type=jax.ShapeDtypeStruct((num_rows, 16), jnp.float32),
        mesh=mesh,
        scratch_types=[
            pltpu.VMEM((_N,), jnp.float32),
            pltpu.VMEM((_N,), jnp.float32),
            pltpu.VMEM((_N,), jnp.uint32),
            pltpu.VMEM((_NBINS * 16,), jnp.int32),
            pltpu.VMEM((_NBINS * 16,), jnp.int32),
            pltpu.VMEM((16,), jnp.float32),
            pltpu.SemaphoreType.DMA,
        ],
        compiler_params=pltpu.CompilerParams(needs_layout_passes=False),
    )(predictions, targets)




def _tc_kernel(pred_ref, targ_ref, out_ref, *, k):
    pid = pl.program_id(0)

    t = targ_ref[...]
    p = pred_ref[...]

    u = pltpu.bitcast(t, jnp.uint32)
    sign = (u >> 31).astype(jnp.uint32)
    flip = jnp.where(sign == 1, jnp.uint32(0xFFFFFFFF), jnp.uint32(0x80000000))
    key = (u ^ flip) >> 20

    kk = jnp.int32(k)
    rows = t.shape[0]

    def bit_step(i, carry):
        p_top, p_bot, c_ge, c_le = carry
        bit = jnp.uint32(1) << (jnp.uint32(11) - i.astype(jnp.uint32))
        cand_t = p_top | bit
        cand_b = p_bot | bit
        cnt_t = jnp.sum((key >= cand_t).astype(jnp.int32), axis=1,
                        keepdims=True)
        cnt_b = jnp.sum((key <= cand_b ^ jnp.uint32(0xFFF)).astype(jnp.int32),
                        axis=1, keepdims=True)
        take_t = cnt_t >= kk
        take_b = cnt_b >= kk
        p_top = jnp.where(take_t, cand_t, p_top)
        c_ge = jnp.where(take_t, cnt_t, c_ge)
        p_bot = jnp.where(take_b, cand_b, p_bot)
        c_le = jnp.where(take_b, cnt_b, c_le)
        return p_top, p_bot, c_ge, c_le

    z = jnp.zeros((rows, 1), jnp.uint32)
    zn = jnp.full((rows, 1), _N, jnp.int32)
    t_top, t_bot_inv, c_ge, c_le = jax.lax.fori_loop(
        0, 12, bit_step, (z, z, zn, zn))
    t_bot = t_bot_inv ^ jnp.uint32(0xFFF)

    ge_top = key >= t_top
    eq_top = key == t_top
    le_bot = key <= t_bot
    eq_bot = key == t_bot

    zf = jnp.float32(0.0)
    sum_ge = jnp.sum(jnp.where(ge_top, p, zf), axis=1, keepdims=True)
    sum_eqt = jnp.sum(jnp.where(eq_top, p, zf), axis=1, keepdims=True)
    sum_le = jnp.sum(jnp.where(le_bot, p, zf), axis=1, keepdims=True)
    sum_eqb = jnp.sum(jnp.where(eq_bot, p, zf), axis=1, keepdims=True)

    cnt_eqt = jnp.sum(eq_top.astype(jnp.int32), axis=1, keepdims=True)
    cnt_eqb = jnp.sum(eq_bot.astype(jnp.int32), axis=1, keepdims=True)

    kf = jnp.float32(k)
    cnt_gt = (c_ge - cnt_eqt).astype(jnp.float32)
    cnt_lt = (c_le - cnt_eqb).astype(jnp.float32)
    top_sum = (sum_ge - sum_eqt) + (kf - cnt_gt) * sum_eqt \
        / cnt_eqt.astype(jnp.float32)
    bot_sum = (sum_le - sum_eqb) + (kf - cnt_lt) * sum_eqb \
        / cnt_eqb.astype(jnp.float32)
    margin = jnp.maximum(1.0 - (top_sum - bot_sum) / kf, 0.0)

    partial = jnp.sum(margin) / jnp.float32(_B)

    @pl.when(pid == 0)
    def _init():
        out_ref[0, 0] = partial

    @pl.when(pid != 0)
    def _acc():
        out_ref[0, 0] += partial


def _tc_partial(predictions, targets, k):
    num_blocks = _TC_ROWS // _TC_BLOCK
    out = pl.pallas_call(
        functools.partial(_tc_kernel, k=k),
        grid=(num_blocks,),
        in_specs=[
            pl.BlockSpec((_TC_BLOCK, _N), lambda i: (i, 0)),
            pl.BlockSpec((_TC_BLOCK, _N), lambda i: (i, 0)),
        ],
        out_specs=pl.BlockSpec(memory_space=pltpu.SMEM),
        out_shape=jax.ShapeDtypeStruct((1, 1), jnp.float32),
        compiler_params=pltpu.CompilerParams(
            dimension_semantics=("arbitrary",),
        ),
    )(predictions, targets)
    return out[0, 0]


def kernel(predictions, targets):
    n = targets.shape[1]
    k = max(1, int(n * _K_PERCENT))
    sc_out = _sc_margins(predictions, targets, k, _TC_ROWS, _SC_ROWS)
    tc_part = _tc_partial(predictions, targets, k)
    return tc_part + jnp.sum(sc_out[:, 0]) / jnp.float32(_B)

# --- scband reference (transcript-rebuilt; emitter-appended) ---
"""Pipeline reference for scband-top-kranking-loss-73057393705016 (READ-ONLY COPY).

The authoritative reference and input builder live on the scoring server;
editing this copy changes nothing except your own understanding.
"""

import jax, jax.numpy as jnp
import numpy as np

K_PERCENT = 0.2


def setup_inputs(seed: int = 0) -> dict:
    key = jax.random.key(seed)
    k1, k2 = jax.random.split(key)
    predictions = jax.random.normal(k1, (64, 32768), dtype=jnp.float32)
    targets = jax.random.normal(k2, (64, 32768), dtype=jnp.float32)
    return {"predictions": predictions, "targets": targets}


def reference(predictions, targets):
    # create_valid_mask: ~isnan(targets). Inputs generated via randn contain no NaNs,
    # so every element is valid and every sample has >1 valid entries.
    valid_mask = ~jnp.isnan(targets)
    valid_samples = jnp.sum(valid_mask, axis=-1) > 1
    n = predictions.shape[1]
    k = max(1, int(n * K_PERCENT))
    # With all entries valid, pred_sample == predictions[i], target_sample == targets[i].
    # top-k of targets (largest) and bottom-k (smallest, via top_k of negated targets)
    _, top_k_indices = jax.lax.top_k(targets, k)
    _, bottom_k_indices = jax.lax.top_k(-targets, k)
    top_k_preds = jnp.take_along_axis(predictions, top_k_indices, axis=1)
    bottom_k_preds = jnp.take_along_axis(predictions, bottom_k_indices, axis=1)
    top_mean = jnp.mean(top_k_preds, axis=1)
    bottom_mean = jnp.mean(bottom_k_preds, axis=1)
    margin_loss = jax.nn.relu(1.0 - (top_mean - bottom_mean))
    # all samples valid and k < n//2, so mean over all batch losses
    denom = jnp.maximum(jnp.sum(valid_samples.astype(jnp.float32)), 1.0)
    loss = jnp.sum(jnp.where(valid_samples, margin_loss, 0.0)) / denom
    return loss

if __name__ == "__main__":
    import jax
    _d = setup_inputs()
    print(jax.jit(kernel)(*tuple(_d.values())))

</pallas_src>

<mosaic_0001>
#map = affine_map<(d0, d1) -> (0, 0)>
module attributes {stable_mosaic.version = 14 : i64} {
  func.func @_sc_body(%arg0: i32, %arg1: i32, %arg2: memref<64x32768xf32, #tpu.memory_space<hbm>>, %arg3: memref<64x32768xf32, #tpu.memory_space<hbm>>, %arg4: memref<32x16xf32, #tpu.memory_space<hbm>>, %arg5: memref<32768xf32, #tpu.memory_space<vmem>>, %arg6: memref<32768xf32, #tpu.memory_space<vmem>>, %arg7: memref<32768xi32, #tpu.memory_space<vmem>>, %arg8: memref<4096xi32, #tpu.memory_space<vmem>>, %arg9: memref<4096xi32, #tpu.memory_space<vmem>>, %arg10: memref<16xf32, #tpu.memory_space<vmem>>, %arg11: memref<!tpu.dma_semaphore, #tpu.memory_space<semaphore_mem>>) attributes {dimension_semantics = [#tpu.dimension_semantics<core_parallel>, #tpu.dimension_semantics<subcore_parallel>], iteration_bounds = array<i64: 2, 16>, scalar_prefetch = 0 : i64, scratch_operands = 7 : i64, tpu.core_type = #tpu.core_type<sc_vector_subcore>, window_params = [{transform_indices = #map}, {transform_indices = #map}, {transform_indices = #map}]} {
    %mul3A = arith.constant 2 : i32
    %mul3A_0 = arith.muli %arg1, %mul3A : i32
    %add3A = arith.addi %mul3A_0, %arg0 : i32
    %iota3A = tpu.iota {dimensions = array<i32: 0>} : vector<16xi32>
    %broadcast_in_dim3A = arith.constant 1 : i32
    %broadcast_in_dim3A_1 = vector.broadcast %broadcast_in_dim3A : i32 to vector<16xi32>
    %add3A_2 = arith.constant 32 : i32
    %add3A_3 = arith.addi %add3A_2, %add3A : i32
    %dma_start3A = arith.constant 0 : i32
    %dma_start3A_4 = tpu.memref_slice %arg2[%add3A_3, %dma_start3A] : memref<64x32768xf32, #tpu.memory_space<hbm>> -> memref<1x32768xf32, #tpu.memory_space<hbm>>
    %dma_start3A_5 = tpu.memref_squeeze %dma_start3A_4 : memref<1x32768xf32, #tpu.memory_space<hbm>> -> memref<32768xf32, #tpu.memory_space<hbm>>
    %dma_start3A_6 = arith.constant 0 : i32
    %dma_start3A_7 = tpu.memref_slice %arg2[%add3A_3, %dma_start3A_6] : memref<64x32768xf32, #tpu.memory_space<hbm>> -> memref<1x32768xf32, #tpu.memory_space<hbm>>
    %dma_start3A_8 = tpu.memref_squeeze %dma_start3A_7 : memref<1x32768xf32, #tpu.memory_space<hbm>> -> memref<32768xf32, #tpu.memory_space<hbm>>
    tpu.enqueue_dma source(%dma_start3A_8 : memref<32768xf32, #tpu.memory_space<hbm>>) target(%arg6 : memref<32768xf32, #tpu.memory_space<vmem>>) target_semaphore(%arg11 : memref<!tpu.dma_semaphore, #tpu.memory_space<semaphore_mem>>)
    "tpu.region"() ({
      %run_scoped3A = tpu.sem_alloc : memref<!tpu.dma_semaphore, #tpu.memory_space<semaphore_mem>>
      %dma_start3A_177 = arith.constant 0 : i32
      %dma_start3A_178 = tpu.memref_slice %arg3[%add3A_3, %dma_start3A_177] : memref<64x32768xf32, #tpu.memory_space<hbm>> -> memref<1x32768xf32, #tpu.memory_space<hbm>>
      %dma_start3A_179 = tpu.memref_squeeze %dma_start3A_178 : memref<1x32768xf32, #tpu.memory_space<hbm>> -> memref<32768xf32, #tpu.memory_space<hbm>>
      %dma_start3A_180 = arith.constant 0 : i32
      %dma_start3A_181 = tpu.memref_slice %arg3[%add3A_3, %dma_start3A_180] : memref<64x32768xf32, #tpu.memory_space<hbm>> -> memref<1x32768xf32, #tpu.memory_space<hbm>>
      %dma_start3A_182 = tpu.memref_squeeze %dma_start3A_181 : memref<1x32768xf32, #tpu.memory_space<hbm>> -> memref<32768xf32, #tpu.memory_space<hbm>>
      tpu.enqueue_dma source(%dma_start3A_182 : memref<32768xf32, #tpu.memory_space<hbm>>) target(%arg5 : memref<32768xf32, #tpu.memory_space<vmem>>) target_semaphore(%run_scoped3A : memref<!tpu.dma_semaphore, #tpu.memory_space<semaphore_mem>>)
      %dma_wait3A_183 = arith.constant 0 : i32
      %dma_wait3A_184 = tpu.memref_slice %arg3[%add3A_3, %dma_wait3A_183] : memref<64x32768xf32, #tpu.memory_space<hbm>> -> memref<1x32768xf32, #tpu.memory_space<hbm>>
      %dma_wait3A_185 = tpu.memref_squeeze %dma_wait3A_184 : memref<1x32768xf32, #tpu.memory_space<hbm>> -> memref<32768xf32, #tpu.memory_space<hbm>>
      %dma_wait3A_186 = arith.constant 0 : i32
      %dma_wait3A_187 = tpu.memref_slice %arg3[%add3A_3, %dma_wait3A_186] : memref<64x32768xf32, #tpu.memory_space<hbm>> -> memref<1x32768xf32, #tpu.memory_space<hbm>>
      %dma_wait3A_188 = tpu.memref_squeeze %dma_wait3A_187 : memref<1x32768xf32, #tpu.memory_space<hbm>> -> memref<32768xf32, #tpu.memory_space<hbm>>
      tpu.wait_dma2 semaphore(%run_scoped3A : memref<!tpu.dma_semaphore, #tpu.memory_space<semaphore_mem>>) src(%dma_wait3A_188 : memref<32768xf32, #tpu.memory_space<hbm>>) dst(%arg5 : memref<32768xf32, #tpu.memory_space<vmem>>)
      tpu.yield
    }) : () -> ()
    %parallel_loop3A = arith.constant 0 : i32
    %parallel_loop3A_9 = arith.constant 256 : i32
    %parallel_loop3A_10 = arith.constant 1 : i32
    scf.for %parallel_loop3A_177 = %parallel_loop3A to %parallel_loop3A_9 step %parallel_loop3A_10  : i32 {
      %parallel_loop3A_178 = arith.constant 0 : i32
      %parallel_loop3A_179 = vector.broadcast %parallel_loop3A_178 : i32 to vector<16xi32>
      %parallel_loop3A_180 = arith.constant 16 : i32
      %parallel_loop3A_181 = arith.muli %parallel_loop3A_177, %parallel_loop3A_180 : i32
      %parallel_loop3A_182 = arith.index_cast %parallel_loop3A_181 : i32 to index
      %parallel_loop3A_183 = tpu.vector_load %arg8[%parallel_loop3A_182] {strides = array<i32>} : memref<4096xi32, #tpu.memory_space<vmem>>, vector<16xi32>,
      tpu.vector_store %arg8[%parallel_loop3A_182], %parallel_loop3A_179 {strides = array<i32>} : memref<4096xi32, #tpu.memory_space<vmem>>, vector<16xi32>,
    } {sc.loop_unroll_factor = 8 : i64, sc.parallel_access}
    %parallel_loop3A_11 = arith.constant 0 : i32
    %parallel_loop3A_12 = arith.constant 2048 : i32
    %parallel_loop3A_13 = arith.constant 1 : i32
    scf.for %parallel_loop3A_177 = %parallel_loop3A_11 to %parallel_loop3A_12 step %parallel_loop3A_13  : i32 {
      %parallel_loop3A_178 = arith.constant 16 : i32
      %parallel_loop3A_179 = arith.muli %parallel_loop3A_177, %parallel_loop3A_178 : i32
      %parallel_loop3A_180 = arith.index_cast %parallel_loop3A_179 : i32 to index
      %parallel_loop3A_181 = tpu.vector_load %arg5[%parallel_loop3A_180] {strides = array<i32>} : memref<32768xf32, #tpu.memory_space<vmem>>, vector<16xf32>,
      %parallel_loop3A_182 = vector.bitcast %parallel_loop3A_181 : vector<16xf32> to vector<16xi32>
      %parallel_loop3A_183 = arith.constant 31 : i32
      %parallel_loop3A_184 = vector.broadcast %parallel_loop3A_183 : i32 to vector<16xi32>
      %parallel_loop3A_185 = arith.shrui %parallel_loop3A_182, %parallel_loop3A_184 : vector<16xi32>
      %parallel_loop3A_186 = arith.constant 1 : i32
      %parallel_loop3A_187 = vector.broadcast %parallel_loop3A_186 : i32 to vector<16xi32>
      %parallel_loop3A_188 = arith.cmpi eq, %parallel_loop3A_185, %parallel_loop3A_187 : vector<16xi32>
      %parallel_loop3A_189 = arith.constant -1 : i32
      %parallel_loop3A_190 = arith.constant -2147483648 : i32
      %parallel_loop3A_191 = vector.broadcast %parallel_loop3A_189 : i32 to vector<16xi32>
      %parallel_loop3A_192 = vector.broadcast %parallel_loop3A_190 : i32 to vector<16xi32>
      %parallel_loop3A_193 = arith.select %parallel_loop3A_188, %parallel_loop3A_191, %parallel_loop3A_192 : vector<16xi1>, vector<16xi32>
      %parallel_loop3A_194 = arith.xori %parallel_loop3A_182, %parallel_loop3A_193 : vector<16xi32>
      %parallel_loop3A_195 = arith.constant 20 : i32
      %parallel_loop3A_196 = vector.broadcast %parallel_loop3A_195 : i32 to vector<16xi32>
      %parallel_loop3A_197 = arith.shrui %parallel_loop3A_194, %parallel_loop3A_196 : vector<16xi32>
      %parallel_loop3A_198 = arith.index_cast %parallel_loop3A_179 : i32 to index
      %parallel_loop3A_199 = tpu.vector_load %arg7[%parallel_loop3A_198] {strides = array<i32>} : memref<32768xi32, #tpu.memory_space<vmem>>, vector<16xi32>,
      tpu.vector_store %arg7[%parallel_loop3A_198], %parallel_loop3A_197 {strides = array<i32>} : memref<32768xi32, #tpu.memory_space<vmem>>, vector<16xi32>,
      %parallel_loop3A_200 = arith.constant 4 : i32
      %parallel_loop3A_201 = vector.broadcast %parallel_loop3A_200 : i32 to vector<16xi32>
      %parallel_loop3A_202 = arith.shrui %parallel_loop3A_197, %parallel_loop3A_201 : vector<16xi32>
      %parallel_loop3A_203 = vector.bitcast %parallel_loop3A_202 : vector<16xi32> to vector<16xi32>
      %parallel_loop3A_204 = arith.constant 4 : i32
      %parallel_loop3A_205 = vector.broadcast %parallel_loop3A_204 : i32 to vector<16xi32>
      %parallel_loop3A_206 = arith.shli %parallel_loop3A_203, %parallel_loop3A_205 : vector<16xi32>
      %parallel_loop3A_207 = arith.addi %parallel_loop3A_206, %iota3A : vector<16xi32>
      tpu.vector_store_idx %arg8[%parallel_loop3A_207], %broadcast_in_dim3A_1 {add = true} : memref<4096xi32, #tpu.memory_space<vmem>>[vector<16xi32>], vector<16xi32>,
    } {sc.loop_unroll_factor = 8 : i64, sc.parallel_access}
    %sub3A = arith.constant 32768 : i32
    %sub3A_14 = arith.constant 6553 : i32
    %sub3A_15 = arith.subi %sub3A, %sub3A_14 : i32
    %sub3A_16 = arith.constant 6553 : i32
    %sub3A_17 = arith.constant 1 : i32
    %sub3A_18 = arith.subi %sub3A_16, %sub3A_17 : i32
    %scan3A = arith.constant 0 : i32
    %scan3A_19 = arith.constant -1 : i32
    %scan3A_20 = arith.constant 0 : i32
    %scan3A_21 = arith.constant 0 : i32
    %scan3A_22 = arith.constant -1 : i32
    %scan3A_23 = arith.constant 0 : i32
    %scan3A_24 = arith.constant 0 : i32
    %scan3A_25 = arith.constant 0 : i32
    %scan3A_26 = arith.constant 256 : i32
    %scan3A_27 = arith.addi %scan3A_25, %scan3A_26 : i32
    %scan3A_28 = arith.constant 1 : i32
    %scan3A_29:7 = scf.for %scan3A_177 = %scan3A_25 to %scan3A_27 step %scan3A_28 iter_args(%scan3A_178 = %scan3A, %scan3A_179 = %scan3A_19, %scan3A_180 = %scan3A_20, %scan3A_181 = %scan3A_21, %scan3A_182 = %scan3A_22, %scan3A_183 = %scan3A_23, %scan3A_184 = %scan3A_24) -> (i32, i32, i32, i32, i32, i32, i32)  : i32 {
      %mul3A_185 = arith.constant 16 : i32
      %mul3A_186 = arith.muli %scan3A_177, %mul3A_185 : i32
      %get3A = arith.index_cast %mul3A_186 : i32 to index
      %get3A_187 = tpu.vector_load %arg8[%get3A] {strides = array<i32>} : memref<4096xi32, #tpu.memory_space<vmem>>, vector<16xi32>,
      %reduce_sum3A_188 = arith.constant true
      %reduce_sum3A_189 = vector.broadcast %reduce_sum3A_188 : i1 to vector<16xi1>
      %reduce_sum3A_190 = tpu.scan <sum>, %get3A_187 masked %reduce_sum3A_189 : vector<16xi32>, vector<16xi1> -> vector<16xi32>
      %reduce_sum3A_191 = vector.extract %reduce_sum3A_190[15] : i32 from vector<16xi32>
      %add3A_192 = arith.addi %scan3A_178, %reduce_sum3A_191 : i32
      %lt3A = arith.constant 0 : i32
      %lt3A_193 = arith.cmpi slt, %scan3A_179, %lt3A : i32
      %gt3A = arith.cmpi sgt, %add3A_192, %sub3A_15 : i32
      %and3A = arith.andi %lt3A_193, %gt3A : i1
      %select_n3A = arith.select %and3A, %scan3A_177, %scan3A_179 : i32
      %select_n3A_194 = arith.select %and3A, %add3A_192, %scan3A_180 : i32
      %select_n3A_195 = arith.select %and3A, %reduce_sum3A_191, %scan3A_181 : i32
      %lt3A_196 = arith.constant 0 : i32
      %lt3A_197 = arith.cmpi slt, %scan3A_182, %lt3A_196 : i32
      %gt3A_198 = arith.cmpi sgt, %add3A_192, %sub3A_18 : i32
      %and3A_199 = arith.andi %lt3A_197, %gt3A_198 : i1
      %select_n3A_200 = arith.select %and3A_199, %scan3A_177, %scan3A_182 : i32
      %select_n3A_201 = arith.select %and3A_199, %add3A_192, %scan3A_183 : i32
      %select_n3A_202 = arith.select %and3A_199, %reduce_sum3A_191, %scan3A_184 : i32
      scf.yield %add3A_192, %select_n3A, %select_n3A_194, %select_n3A_195, %select_n3A_200, %select_n3A_201, %select_n3A_202 : i32, i32, i32, i32, i32, i32, i32
    }
    %scan3A_30 = arith.constant 256 : i32
    %sub3A_31 = arith.constant 32768 : i32
    %sub3A_32 = arith.subi %sub3A_31, %scan3A_29#2 : i32
    %sub3A_33 = arith.constant 6553 : i32
    %sub3A_34 = arith.subi %sub3A_33, %sub3A_32 : i32
    %sub3A_35 = arith.subi %scan3A_29#5, %scan3A_29#6 : i32
    %sub3A_36 = arith.constant 6553 : i32
    %sub3A_37 = arith.subi %sub3A_36, %sub3A_35 : i32
    %parallel_loop3A_38 = arith.constant 0 : i32
    %parallel_loop3A_39 = arith.constant 16 : i32
    %parallel_loop3A_40 = arith.constant 1 : i32
    scf.for %parallel_loop3A_177 = %parallel_loop3A_38 to %parallel_loop3A_39 step %parallel_loop3A_40  : i32 {
      %parallel_loop3A_178 = arith.constant 0 : i32
      %parallel_loop3A_179 = vector.broadcast %parallel_loop3A_178 : i32 to vector<16xi32>
      %parallel_loop3A_180 = arith.constant 16 : i32
      %parallel_loop3A_181 = arith.muli %parallel_loop3A_177, %parallel_loop3A_180 : i32
      %parallel_loop3A_182 = arith.index_cast %parallel_loop3A_181 : i32 to index
      %parallel_loop3A_183 = tpu.vector_load %arg8[%parallel_loop3A_182] {strides = array<i32>} : memref<4096xi32, #tpu.memory_space<vmem>>, vector<16xi32>,
      tpu.vector_store %arg8[%parallel_loop3A_182], %parallel_loop3A_179 {strides = array<i32>} : memref<4096xi32, #tpu.memory_space<vmem>>, vector<16xi32>,
    } {sc.loop_unroll_factor = 8 : i64, sc.parallel_access}
    %parallel_loop3A_41 = arith.constant 0 : i32
    %parallel_loop3A_42 = arith.constant 16 : i32
    %parallel_loop3A_43 = arith.constant 1 : i32
    scf.for %parallel_loop3A_177 = %parallel_loop3A_41 to %parallel_loop3A_42 step %parallel_loop3A_43  : i32 {
      %parallel_loop3A_178 = arith.constant 0 : i32
      %parallel_loop3A_179 = vector.broadcast %parallel_loop3A_178 : i32 to vector<16xi32>
      %parallel_loop3A_180 = arith.constant 16 : i32
      %parallel_loop3A_181 = arith.muli %parallel_loop3A_177, %parallel_loop3A_180 : i32
      %parallel_loop3A_182 = arith.index_cast %parallel_loop3A_181 : i32 to index
      %parallel_loop3A_183 = tpu.vector_load %arg9[%parallel_loop3A_182] {strides = array<i32>} : memref<4096xi32, #tpu.memory_space<vmem>>, vector<16xi32>,
      tpu.vector_store %arg9[%parallel_loop3A_182], %parallel_loop3A_179 {strides = array<i32>} : memref<4096xi32, #tpu.memory_space<vmem>>, vector<16xi32>,
    } {sc.loop_unroll_factor = 8 : i64, sc.parallel_access}
    %parallel_loop3A_44 = arith.constant 0 : i32
    %parallel_loop3A_45 = arith.constant 2048 : i32
    %parallel_loop3A_46 = arith.constant 1 : i32
    scf.for %parallel_loop3A_177 = %parallel_loop3A_44 to %parallel_loop3A_45 step %parallel_loop3A_46  : i32 {
      %parallel_loop3A_178 = arith.constant 16 : i32
      %parallel_loop3A_179 = arith.muli %parallel_loop3A_177, %parallel_loop3A_178 : i32
      %parallel_loop3A_180 = arith.index_cast %parallel_loop3A_179 : i32 to index
      %parallel_loop3A_181 = tpu.vector_load %arg7[%parallel_loop3A_180] {strides = array<i32>} : memref<32768xi32, #tpu.memory_space<vmem>>, vector<16xi32>,
      %parallel_loop3A_182 = vector.bitcast %parallel_loop3A_181 : vector<16xi32> to vector<16xi32>
      %parallel_loop3A_183 = arith.constant 15 : i32
      %parallel_loop3A_184 = vector.broadcast %parallel_loop3A_183 : i32 to vector<16xi32>
      %parallel_loop3A_185 = arith.andi %parallel_loop3A_182, %parallel_loop3A_184 : vector<16xi32>
      %parallel_loop3A_186 = arith.constant 4 : i32
      %parallel_loop3A_187 = vector.broadcast %parallel_loop3A_186 : i32 to vector<16xi32>
      %parallel_loop3A_188 = arith.shrsi %parallel_loop3A_182, %parallel_loop3A_187 : vector<16xi32>
      %parallel_loop3A_189 = arith.constant 4 : i32
      %parallel_loop3A_190 = vector.broadcast %parallel_loop3A_189 : i32 to vector<16xi32>
      %parallel_loop3A_191 = arith.shli %parallel_loop3A_185, %parallel_loop3A_190 : vector<16xi32>
      %parallel_loop3A_192 = arith.addi %parallel_loop3A_191, %iota3A : vector<16xi32>
      %parallel_loop3A_193 = vector.broadcast %scan3A_29#1 : i32 to vector<16xi32>
      %parallel_loop3A_194 = arith.cmpi eq, %parallel_loop3A_188, %parallel_loop3A_193 : vector<16xi32>
      tpu.vector_store_idx %arg8[%parallel_loop3A_192], %broadcast_in_dim3A_1 masked %parallel_loop3A_194 {add = true} : memref<4096xi32, #tpu.memory_space<vmem>>[vector<16xi32>], vector<16xi32>, vector<16xi1>
      %parallel_loop3A_195 = vector.broadcast %scan3A_29#4 : i32 to vector<16xi32>
      %parallel_loop3A_196 = arith.cmpi eq, %parallel_loop3A_188, %parallel_loop3A_195 : vector<16xi32>
      tpu.vector_store_idx %arg9[%parallel_loop3A_192], %broadcast_in_dim3A_1 masked %parallel_loop3A_196 {add = true} : memref<4096xi32, #tpu.memory_space<vmem>>[vector<16xi32>], vector<16xi32>, vector<16xi1>
    } {sc.loop_unroll_factor = 8 : i64, sc.parallel_access}
    %sub3A_47 = arith.subi %scan3A_29#3, %sub3A_34 : i32
    %sub3A_48 = arith.subi %scan3A_29#3, %sub3A_34 : i32
    %scan3A_49 = arith.constant 0 : i32
    %scan3A_50 = arith.constant -1 : i32
    %scan3A_51 = arith.constant 0 : i32
    %scan3A_52 = arith.constant 0 : i32
    %scan3A_53 = arith.constant -1 : i32
    %scan3A_54 = arith.constant 0 : i32
    %scan3A_55 = arith.constant 0 : i32
    %scan3A_56 = arith.constant 0 : i32
    %scan3A_57 = arith.constant 16 : i32
    %scan3A_58 = arith.addi %scan3A_56, %scan3A_57 : i32
    %scan3A_59 = arith.constant 1 : i32
    %scan3A_60:7 = scf.for %scan3A_177 = %scan3A_56 to %scan3A_58 step %scan3A_59 iter_args(%scan3A_178 = %scan3A_49, %scan3A_179 = %scan3A_50, %scan3A_180 = %scan3A_51, %scan3A_181 = %scan3A_52, %scan3A_182 = %scan3A_53, %scan3A_183 = %scan3A_54, %scan3A_184 = %scan3A_55) -> (i32, i32, i32, i32, i32, i32, i32)  : i32 {
      %mul3A_185 = arith.constant 16 : i32
      %mul3A_186 = arith.muli %scan3A_177, %mul3A_185 : i32
      %get3A = arith.index_cast %mul3A_186 : i32 to index
      %get3A_187 = tpu.vector_load %arg8[%get3A] {strides = array<i32>} : memref<4096xi32, #tpu.memory_space<vmem>>, vector<16xi32>,
      %reduce_sum3A_188 = arith.constant true
      %reduce_sum3A_189 = vector.broadcast %reduce_sum3A_188 : i1 to vector<16xi1>
      %reduce_sum3A_190 = tpu.scan <sum>, %get3A_187 masked %reduce_sum3A_189 : vector<16xi32>, vector<16xi1> -> vector<16xi32>
      %reduce_sum3A_191 = vector.extract %reduce_sum3A_190[15] : i32 from vector<16xi32>
      %add3A_192 = arith.addi %scan3A_178, %reduce_sum3A_191 : i32
      %lt3A = arith.constant 0 : i32
      %lt3A_193 = arith.cmpi slt, %scan3A_179, %lt3A : i32
      %gt3A = arith.cmpi sgt, %add3A_192, %sub3A_47 : i32
      %and3A = arith.andi %lt3A_193, %gt3A : i1
      %select_n3A = arith.select %and3A, %scan3A_177, %scan3A_179 : i32
      %select_n3A_194 = arith.select %and3A, %add3A_192, %scan3A_180 : i32
      %select_n3A_195 = arith.select %and3A, %reduce_sum3A_191, %scan3A_181 : i32
      %lt3A_196 = arith.constant 0 : i32
      %lt3A_197 = arith.cmpi slt, %scan3A_182, %lt3A_196 : i32
      %gt3A_198 = arith.cmpi sgt, %add3A_192, %sub3A_48 : i32
      %and3A_199 = arith.andi %lt3A_197, %gt3A_198 : i1
      %select_n3A_200 = arith.select %and3A_199, %scan3A_177, %scan3A_182 : i32
      %select_n3A_201 = arith.select %and3A_199, %add3A_192, %scan3A_183 : i32
      %select_n3A_202 = arith.select %and3A_199, %reduce_sum3A_191, %scan3A_184 : i32
      scf.yield %add3A_192, %select_n3A, %select_n3A_194, %select_n3A_195, %select_n3A_200, %select_n3A_201, %select_n3A_202 : i32, i32, i32, i32, i32, i32, i32
    }
    %scan3A_61 = arith.constant 16 : i32
    %sub3A_62 = arith.subi %scan3A_29#3, %scan3A_60#2 : i32
    %sub3A_63 = arith.subi %sub3A_34, %sub3A_62 : i32
    %shift_left3A = arith.constant 4 : i32
    %shift_left3A_64 = arith.shli %scan3A_29#1, %shift_left3A : i32
    %or3A = arith.ori %shift_left3A_64, %scan3A_60#1 : i32
    %sub3A_65 = arith.constant 1 : i32
    %sub3A_66 = arith.subi %sub3A_37, %sub3A_65 : i32
    %sub3A_67 = arith.constant 1 : i32
    %sub3A_68 = arith.subi %sub3A_37, %sub3A_67 : i32
    %scan3A_69 = arith.constant 0 : i32
    %scan3A_70 = arith.constant -1 : i32
    %scan3A_71 = arith.constant 0 : i32
    %scan3A_72 = arith.constant 0 : i32
    %scan3A_73 = arith.constant -1 : i32
    %scan3A_74 = arith.constant 0 : i32
    %scan3A_75 = arith.constant 0 : i32
    %scan3A_76 = arith.constant 0 : i32
    %scan3A_77 = arith.constant 16 : i32
    %scan3A_78 = arith.addi %scan3A_76, %scan3A_77 : i32
    %scan3A_79 = arith.constant 1 : i32
    %scan3A_80:7 = scf.for %scan3A_177 = %scan3A_76 to %scan3A_78 step %scan3A_79 iter_args(%scan3A_178 = %scan3A_69, %scan3A_179 = %scan3A_70, %scan3A_180 = %scan3A_71, %scan3A_181 = %scan3A_72, %scan3A_182 = %scan3A_73, %scan3A_183 = %scan3A_74, %scan3A_184 = %scan3A_75) -> (i32, i32, i32, i32, i32, i32, i32)  : i32 {
      %mul3A_185 = arith.constant 16 : i32
      %mul3A_186 = arith.muli %scan3A_177, %mul3A_185 : i32
      %get3A = arith.index_cast %mul3A_186 : i32 to index
      %get3A_187 = tpu.vector_load %arg9[%get3A] {strides = array<i32>} : memref<4096xi32, #tpu.memory_space<vmem>>, vector<16xi32>,
      %reduce_sum3A_188 = arith.constant true
      %reduce_sum3A_189 = vector.broadcast %reduce_sum3A_188 : i1 to vector<16xi1>
      %reduce_sum3A_190 = tpu.scan <sum>, %get3A_187 masked %reduce_sum3A_189 : vector<16xi32>, vector<16xi1> -> vector<16xi32>
      %reduce_sum3A_191 = vector.extract %reduce_sum3A_190[15] : i32 from vector<16xi32>
      %add3A_192 = arith.addi %scan3A_178, %reduce_sum3A_191 : i32
      %lt3A = arith.constant 0 : i32
      %lt3A_193 = arith.cmpi slt, %scan3A_179, %lt3A : i32
      %gt3A = arith.cmpi sgt, %add3A_192, %sub3A_66 : i32
      %and3A = arith.andi %lt3A_193, %gt3A : i1
      %select_n3A = arith.select %and3A, %scan3A_177, %scan3A_179 : i32
      %select_n3A_194 = arith.select %and3A, %add3A_192, %scan3A_180 : i32
      %select_n3A_195 = arith.select %and3A, %reduce_sum3A_191, %scan3A_181 : i32
      %lt3A_196 = arith.constant 0 : i32
      %lt3A_197 = arith.cmpi slt, %scan3A_182, %lt3A_196 : i32
      %gt3A_198 = arith.cmpi sgt, %add3A_192, %sub3A_68 : i32
      %and3A_199 = arith.andi %lt3A_197, %gt3A_198 : i1
      %select_n3A_200 = arith.select %and3A_199, %scan3A_177, %scan3A_182 : i32
      %select_n3A_201 = arith.select %and3A_199, %add3A_192, %scan3A_183 : i32
      %select_n3A_202 = arith.select %and3A_199, %reduce_sum3A_191, %scan3A_184 : i32
      scf.yield %add3A_192, %select_n3A, %select_n3A_194, %select_n3A_195, %select_n3A_200, %select_n3A_201, %select_n3A_202 : i32, i32, i32, i32, i32, i32, i32
    }
    %scan3A_81 = arith.constant 16 : i32
    %sub3A_82 = arith.subi %scan3A_80#2, %scan3A_80#3 : i32
    %sub3A_83 = arith.subi %sub3A_37, %sub3A_82 : i32
    %shift_left3A_84 = arith.constant 4 : i32
    %shift_left3A_85 = arith.shli %scan3A_29#4, %shift_left3A_84 : i32
    %or3A_86 = arith.ori %shift_left3A_85, %scan3A_80#1 : i32
    %dma_wait3A = arith.constant 0 : i32
    %dma_wait3A_87 = tpu.memref_slice %arg2[%add3A_3, %dma_wait3A] : memref<64x32768xf32, #tpu.memory_space<hbm>> -> memref<1x32768xf32, #tpu.memory_space<hbm>>
    %dma_wait3A_88 = tpu.memref_squeeze %dma_wait3A_87 : memref<1x32768xf32, #tpu.memory_space<hbm>> -> memref<32768xf32, #tpu.memory_space<hbm>>
    %dma_wait3A_89 = arith.constant 0 : i32
    %dma_wait3A_90 = tpu.memref_slice %arg2[%add3A_3, %dma_wait3A_89] : memref<64x32768xf32, #tpu.memory_space<hbm>> -> memref<1x32768xf32, #tpu.memory_space<hbm>>
    %dma_wait3A_91 = tpu.memref_squeeze %dma_wait3A_90 : memref<1x32768xf32, #tpu.memory_space<hbm>> -> memref<32768xf32, #tpu.memory_space<hbm>>
    tpu.wait_dma2 semaphore(%arg11 : memref<!tpu.dma_semaphore, #tpu.memory_space<semaphore_mem>>) src(%dma_wait3A_91 : memref<32768xf32, #tpu.memory_space<hbm>>) dst(%arg6 : memref<32768xf32, #tpu.memory_space<vmem>>)
    %broadcast_in_dim3A_92 = arith.constant 0.000000e+00 : f32
    %broadcast_in_dim3A_93 = vector.broadcast %broadcast_in_dim3A_92 : f32 to vector<16xf32>
    %parallel_loop3A_94 = arith.constant 0 : i32
    %parallel_loop3A_95 = arith.constant 2048 : i32
    %parallel_loop3A_96 = arith.constant 1 : i32
    %parallel_loop3A_97:4 = scf.for %parallel_loop3A_177 = %parallel_loop3A_94 to %parallel_loop3A_95 step %parallel_loop3A_96 iter_args(%parallel_loop3A_178 = %broadcast_in_dim3A_93, %parallel_loop3A_179 = %broadcast_in_dim3A_93, %parallel_loop3A_180 = %broadcast_in_dim3A_93, %parallel_loop3A_181 = %broadcast_in_dim3A_93) -> (vector<16xf32>, vector<16xf32>, vector<16xf32>, vector<16xf32>)  : i32 {
      %parallel_loop3A_182 = arith.constant 16 : i32
      %parallel_loop3A_183 = arith.muli %parallel_loop3A_177, %parallel_loop3A_182 : i32
      %parallel_loop3A_184 = arith.index_cast %parallel_loop3A_183 : i32 to index
      %parallel_loop3A_185 = tpu.vector_load %arg7[%parallel_loop3A_184] {strides = array<i32>} : memref<32768xi32, #tpu.memory_space<vmem>>, vector<16xi32>,
      %parallel_loop3A_186 = arith.index_cast %parallel_loop3A_183 : i32 to index
      %parallel_loop3A_187 = tpu.vector_load %arg6[%parallel_loop3A_186] {strides = array<i32>} : memref<32768xf32, #tpu.memory_space<vmem>>, vector<16xf32>,
      %parallel_loop3A_188 = vector.broadcast %or3A : i32 to vector<16xi32>
      %parallel_loop3A_189 = arith.cmpi ugt, %parallel_loop3A_185, %parallel_loop3A_188 : vector<16xi32>
      %parallel_loop3A_190 = arith.constant 0.000000e+00 : f32
      %parallel_loop3A_191 = vector.broadcast %parallel_loop3A_190 : f32 to vector<16xf32>
      %parallel_loop3A_192 = arith.select %parallel_loop3A_189, %parallel_loop3A_187, %parallel_loop3A_191 : vector<16xi1>, vector<16xf32>
      %parallel_loop3A_193 = arith.addf %parallel_loop3A_178, %parallel_loop3A_192 : vector<16xf32>
      %parallel_loop3A_194 = vector.broadcast %or3A : i32 to vector<16xi32>
      %parallel_loop3A_195 = arith.cmpi eq, %parallel_loop3A_185, %parallel_loop3A_194 : vector<16xi32>
      %parallel_loop3A_196 = arith.constant 0.000000e+00 : f32
      %parallel_loop3A_197 = vector.broadcast %parallel_loop3A_196 : f32 to vector<16xf32>
      %parallel_loop3A_198 = arith.select %parallel_loop3A_195, %parallel_loop3A_187, %parallel_loop3A_197 : vector<16xi1>, vector<16xf32>
      %parallel_loop3A_199 = arith.addf %parallel_loop3A_179, %parallel_loop3A_198 : vector<16xf32>
      %parallel_loop3A_200 = vector.broadcast %or3A_86 : i32 to vector<16xi32>
      %parallel_loop3A_201 = arith.cmpi ult, %parallel_loop3A_185, %parallel_loop3A_200 : vector<16xi32>
      %parallel_loop3A_202 = arith.constant 0.000000e+00 : f32
      %parallel_loop3A_203 = vector.broadcast %parallel_loop3A_202 : f32 to vector<16xf32>
      %parallel_loop3A_204 = arith.select %parallel_loop3A_201, %parallel_loop3A_187, %parallel_loop3A_203 : vector<16xi1>, vector<16xf32>
      %parallel_loop3A_205 = arith.addf %parallel_loop3A_180, %parallel_loop3A_204 : vector<16xf32>
      %parallel_loop3A_206 = vector.broadcast %or3A_86 : i32 to vector<16xi32>
      %parallel_loop3A_207 = arith.cmpi eq, %parallel_loop3A_185, %parallel_loop3A_206 : vector<16xi32>
      %parallel_loop3A_208 = arith.constant 0.000000e+00 : f32
      %parallel_loop3A_209 = vector.broadcast %parallel_loop3A_208 : f32 to vector<16xf32>
      %parallel_loop3A_210 = arith.select %parallel_loop3A_207, %parallel_loop3A_187, %parallel_loop3A_209 : vector<16xi1>, vector<16xf32>
      %parallel_loop3A_211 = arith.addf %parallel_loop3A_181, %parallel_loop3A_210 : vector<16xf32>
      scf.yield %parallel_loop3A_193, %parallel_loop3A_199, %parallel_loop3A_205, %parallel_loop3A_211 : vector<16xf32>, vector<16xf32>, vector<16xf32>, vector<16xf32>
    } {sc.loop_unroll_factor = 8 : i64, sc.parallel_access}
    %reduce_sum3A = arith.constant true
    %reduce_sum3A_98 = vector.broadcast %reduce_sum3A : i1 to vector<16xi1>
    %reduce_sum3A_99 = tpu.scan <sum>, %parallel_loop3A_97#0 masked %reduce_sum3A_98 : vector<16xf32>, vector<16xi1> -> vector<16xf32>
    %reduce_sum3A_100 = vector.extract %reduce_sum3A_99[15] : f32 from vector<16xf32>
    %convert_element_type3A = arith.sitofp %sub3A_63 : i32 to f32
    %reduce_sum3A_101 = arith.constant true
    %reduce_sum3A_102 = vector.broadcast %reduce_sum3A_101 : i1 to vector<16xi1>
    %reduce_sum3A_103 = tpu.scan <sum>, %parallel_loop3A_97#1 masked %reduce_sum3A_102 : vector<16xf32>, vector<16xi1> -> vector<16xf32>
    %reduce_sum3A_104 = vector.extract %reduce_sum3A_103[15] : f32 from vector<16xf32>
    %mul3A_105 = arith.mulf %convert_element_type3A, %reduce_sum3A_104 : f32
    %convert_element_type3A_106 = arith.sitofp %scan3A_60#3 : i32 to f32
    %broadcast_in_dim3A_107 = vector.broadcast %convert_element_type3A_106 : f32 to vector<16xf32>
    %bitcast3A = vector.bitcast %broadcast_in_dim3A_107 : vector<16xf32> to vector<16xi32>
    %sub3A_108 = arith.constant 2129733610 : i32
    %sub3A_109 = vector.broadcast %sub3A_108 : i32 to vector<16xi32>
    %sub3A_110 = arith.subi %sub3A_109, %bitcast3A : vector<16xi32>
    %bitcast3A_111 = vector.bitcast %sub3A_110 : vector<16xi32> to vector<16xf32>
    %mul3A_112 = arith.mulf %broadcast_in_dim3A_107, %bitcast3A_111 : vector<16xf32>
    %sub3A_113 = arith.constant 2.000000e+00 : f32
    %sub3A_114 = vector.broadcast %sub3A_113 : f32 to vector<16xf32>
    %sub3A_115 = arith.subf %sub3A_114, %mul3A_112 : vector<16xf32>
    %mul3A_116 = arith.mulf %bitcast3A_111, %sub3A_115 : vector<16xf32>
    %mul3A_117 = arith.mulf %broadcast_in_dim3A_107, %mul3A_116 : vector<16xf32>
    %sub3A_118 = arith.constant 2.000000e+00 : f32
    %sub3A_119 = vector.broadcast %sub3A_118 : f32 to vector<16xf32>
    %sub3A_120 = arith.subf %sub3A_119, %mul3A_117 : vector<16xf32>
    %mul3A_121 = arith.mulf %mul3A_116, %sub3A_120 : vector<16xf32>
    %mul3A_122 = arith.mulf %broadcast_in_dim3A_107, %mul3A_121 : vector<16xf32>
    %sub3A_123 = arith.constant 2.000000e+00 : f32
    %sub3A_124 = vector.broadcast %sub3A_123 : f32 to vector<16xf32>
    %sub3A_125 = arith.subf %sub3A_124, %mul3A_122 : vector<16xf32>
    %mul3A_126 = arith.mulf %mul3A_121, %sub3A_125 : vector<16xf32>
    %mul3A_127 = vector.broadcast %mul3A_105 : f32 to vector<16xf32>
    %mul3A_128 = arith.mulf %mul3A_127, %mul3A_126 : vector<16xf32>
    %add3A_129 = vector.broadcast %reduce_sum3A_100 : f32 to vector<16xf32>
    %add3A_130 = arith.addf %add3A_129, %mul3A_128 : vector<16xf32>
    %reduce_sum3A_131 = arith.constant true
    %reduce_sum3A_132 = vector.broadcast %reduce_sum3A_131 : i1 to vector<16xi1>
    %reduce_sum3A_133 = tpu.scan <sum>, %parallel_loop3A_97#2 masked %reduce_sum3A_132 : vector<16xf32>, vector<16xi1> -> vector<16xf32>
    %reduce_sum3A_134 = vector.extract %reduce_sum3A_133[15] : f32 from vector<16xf32>
    %convert_element_type3A_135 = arith.sitofp %sub3A_83 : i32 to f32
    %reduce_sum3A_136 = arith.constant true
    %reduce_sum3A_137 = vector.broadcast %reduce_sum3A_136 : i1 to vector<16xi1>
    %reduce_sum3A_138 = tpu.scan <sum>, %parallel_loop3A_97#3 masked %reduce_sum3A_137 : vector<16xf32>, vector<16xi1> -> vector<16xf32>
    %reduce_sum3A_139 = vector.extract %reduce_sum3A_138[15] : f32 from vector<16xf32>
    %mul3A_140 = arith.mulf %convert_element_type3A_135, %reduce_sum3A_139 : f32
    %convert_element_type3A_141 = arith.sitofp %scan3A_80#3 : i32 to f32
    %broadcast_in_dim3A_142 = vector.broadcast %convert_element_type3A_141 : f32 to vector<16xf32>
    %bitcast3A_143 = vector.bitcast %broadcast_in_dim3A_142 : vector<16xf32> to vector<16xi32>
    %sub3A_144 = arith.constant 2129733610 : i32
    %sub3A_145 = vector.broadcast %sub3A_144 : i32 to vector<16xi32>
    %sub3A_146 = arith.subi %sub3A_145, %bitcast3A_143 : vector<16xi32>
    %bitcast3A_147 = vector.bitcast %sub3A_146 : vector<16xi32> to vector<16xf32>
    %mul3A_148 = arith.mulf %broadcast_in_dim3A_142, %bitcast3A_147 : vector<16xf32>
    %sub3A_149 = arith.constant 2.000000e+00 : f32
    %sub3A_150 = vector.broadcast %sub3A_149 : f32 to vector<16xf32>
    %sub3A_151 = arith.subf %sub3A_150, %mul3A_148 : vector<16xf32>
    %mul3A_152 = arith.mulf %bitcast3A_147, %sub3A_151 : vector<16xf32>
    %mul3A_153 = arith.mulf %broadcast_in_dim3A_142, %mul3A_152 : vector<16xf32>
    %sub3A_154 = arith.constant 2.000000e+00 : f32
    %sub3A_155 = vector.broadcast %sub3A_154 : f32 to vector<16xf32>
    %sub3A_156 = arith.subf %sub3A_155, %mul3A_153 : vector<16xf32>
    %mul3A_157 = arith.mulf %mul3A_152, %sub3A_156 : vector<16xf32>
    %mul3A_158 = arith.mulf %broadcast_in_dim3A_142, %mul3A_157 : vector<16xf32>
    %sub3A_159 = arith.constant 2.000000e+00 : f32
    %sub3A_160 = vector.broadcast %sub3A_159 : f32 to vector<16xf32>
    %sub3A_161 = arith.subf %sub3A_160, %mul3A_158 : vector<16xf32>
    %mul3A_162 = arith.mulf %mul3A_157, %sub3A_161 : vector<16xf32>
    %mul3A_163 = vector.broadcast %mul3A_140 : f32 to vector<16xf32>
    %mul3A_164 = arith.mulf %mul3A_163, %mul3A_162 : vector<16xf32>
    %add3A_165 = vector.broadcast %reduce_sum3A_134 : f32 to vector<16xf32>
    %add3A_166 = arith.addf %add3A_165, %mul3A_164 : vector<16xf32>
    %sub3A_167 = arith.subf %add3A_130, %add3A_166 : vector<16xf32>
    %mul3A_168 = arith.constant 1.5260186E-4 : f32
    %mul3A_169 = vector.broadcast %mul3A_168 : f32 to vector<16xf32>
    %mul3A_170 = arith.mulf %sub3A_167, %mul3A_169 : vector<16xf32>
    %sub3A_171 = arith.constant 1.000000e+00 : f32
    %sub3A_172 = vector.broadcast %sub3A_171 : f32 to vector<16xf32>
    %sub3A_173 = arith.subf %sub3A_172, %mul3A_170 : vector<16xf32>
    %max3A = arith.constant 0.000000e+00 : f32
    %max3A_174 = vector.broadcast %max3A : f32 to vector<16xf32>
    %max3A_175 = arith.maximumf %sub3A_173, %max3A_174 : vector<16xf32>
    %swap3A = arith.constant 0 : index
    %swap3A_176 = tpu.vector_load %arg10[%swap3A] {strides = array<i32>} : memref<16xf32, #tpu.memory_space<vmem>>, vector<16xf32>,
    tpu.vector_store %arg10[%swap3A], %max3A_175 {strides = array<i32>} : memref<16xf32, #tpu.memory_space<vmem>>, vector<16xf32>,
    "tpu.region"() ({
      %run_scoped3A = tpu.sem_alloc : memref<!tpu.dma_semaphore, #tpu.memory_space<semaphore_mem>>
      %dma_start3A_177 = arith.constant 0 : i32
      %dma_start3A_178 = tpu.memref_slice %arg4[%add3A, %dma_start3A_177] : memref<32x16xf32, #tpu.memory_space<hbm>> -> memref<1x16xf32, #tpu.memory_space<hbm>>
      %dma_start3A_179 = tpu.memref_squeeze %dma_start3A_178 : memref<1x16xf32, #tpu.memory_space<hbm>> -> memref<16xf32, #tpu.memory_space<hbm>>
      %dma_start3A_180 = arith.constant 0 : i32
      %dma_start3A_181 = tpu.memref_slice %arg4[%add3A, %dma_start3A_180] : memref<32x16xf32, #tpu.memory_space<hbm>> -> memref<1x16xf32, #tpu.memory_space<hbm>>
      %dma_start3A_182 = tpu.memref_squeeze %dma_start3A_181 : memref<1x16xf32, #tpu.memory_space<hbm>> -> memref<16xf32, #tpu.memory_space<hbm>>
      tpu.enqueue_dma source(%arg10 : memref<16xf32, #tpu.memory_space<vmem>>) target(%dma_start3A_182 : memref<16xf32, #tpu.memory_space<hbm>>) target_semaphore(%run_scoped3A : memref<!tpu.dma_semaphore, #tpu.memory_space<semaphore_mem>>)
      %dma_wait3A_183 = arith.constant 0 : i32
      %dma_wait3A_184 = tpu.memref_slice %arg4[%add3A, %dma_wait3A_183] : memref<32x16xf32, #tpu.memory_space<hbm>> -> memref<1x16xf32, #tpu.memory_space<hbm>>
      %dma_wait3A_185 = tpu.memref_squeeze %dma_wait3A_184 : memref<1x16xf32, #tpu.memory_space<hbm>> -> memref<16xf32, #tpu.memory_space<hbm>>
      %dma_wait3A_186 = arith.constant 0 : i32
      %dma_wait3A_187 = tpu.memref_slice %arg4[%add3A, %dma_wait3A_186] : memref<32x16xf32, #tpu.memory_space<hbm>> -> memref<1x16xf32, #tpu.memory_space<hbm>>
      %dma_wait3A_188 = tpu.memref_squeeze %dma_wait3A_187 : memref<1x16xf32, #tpu.memory_space<hbm>> -> memref<16xf32, #tpu.memory_space<hbm>>
      tpu.wait_dma2 semaphore(%run_scoped3A : memref<!tpu.dma_semaphore, #tpu.memory_space<semaphore_mem>>) src(%arg10 : memref<16xf32, #tpu.memory_space<vmem>>) dst(%dma_wait3A_188 : memref<16xf32, #tpu.memory_space<hbm>>)
      tpu.yield
    }) : () -> ()
    return
  }
}

module attributes {stable_mosaic.version = 14 : i64} {
  func.func @_tc_kernel(%arg0: i32, %arg1: memref<8x32768xf32, #tpu.memory_space<vmem>>, %arg2: memref<8x32768xf32, #tpu.memory_space<vmem>>, %arg3: memref<1x1xf32, #tpu.memory_space<smem>>) attributes {dimension_semantics = [#tpu.dimension_semantics<arbitrary>], iteration_bounds = array<i64: 4>, scalar_prefetch = 0 : i64, scratch_operands = 0 : i64, tpu.core_type = #tpu.core_type<tc>, window_params = [{transform_indices = @transform_0, window_bounds = array<i64: 8, 32768>}, {transform_indices = @transform_1, window_bounds = array<i64: 8, 32768>}, {transform_indices = @transform_2, window_bounds = array<i64: 1, 1>}]} {
    %get3A = arith.constant 0 : index
    %get3A_0 = arith.constant 0 : index
    %get3A_1 = vector.load %arg2[%get3A, %get3A_0] : memref<8x32768xf32, #tpu.memory_space<vmem>>, vector<8x32768xf32>
    %get3A_2 = arith.constant 0 : index
    %get3A_3 = arith.constant 0 : index
    %get3A_4 = vector.load %arg1[%get3A_2, %get3A_3] : memref<8x32768xf32, #tpu.memory_space<vmem>>, vector<8x32768xf32>
    %bitcast3A = tpu.bitcast %get3A_1 : vector<8x32768xf32> -> vector<8x32768xi32>
    %shift_right_logical3A = arith.constant 31 : i32
    %shift_right_logical3A_5 = vector.broadcast %shift_right_logical3A : i32 to vector<8x32768xi32>
    %shift_right_logical3A_6 = arith.shrui %bitcast3A, %shift_right_logical3A_5 : vector<8x32768xi32>
    %eq3A = arith.constant 1 : i32
    %eq3A_7 = vector.broadcast %eq3A : i32 to vector<8x32768xi32>
    %eq3A_8 = arith.cmpi eq, %shift_right_logical3A_6, %eq3A_7 : vector<8x32768xi32>
    %jit3A = arith.constant -1 : i32
    %jit3A_9 = arith.constant -2147483648 : i32
    %broadcast_in_dim3A = vector.broadcast %jit3A : i32 to vector<8x32768xi32>
    %broadcast_in_dim3A_10 = vector.broadcast %jit3A_9 : i32 to vector<8x32768xi32>
    %select_n3A = arith.select %eq3A_8, %broadcast_in_dim3A, %broadcast_in_dim3A_10 : vector<8x32768xi1>, vector<8x32768xi32>
    %xor3A = arith.xori %bitcast3A, %select_n3A : vector<8x32768xi32>
    %shift_right_logical3A_11 = arith.constant 20 : i32
    %shift_right_logical3A_12 = vector.broadcast %shift_right_logical3A_11 : i32 to vector<8x32768xi32>
    %shift_right_logical3A_13 = arith.shrui %xor3A, %shift_right_logical3A_12 : vector<8x32768xi32>
    %broadcast_in_dim3A_14 = arith.constant 0 : i32
    %broadcast_in_dim3A_15 = vector.broadcast %broadcast_in_dim3A_14 : i32 to vector<8x1xi32>
    %broadcast_in_dim3A_16 = arith.constant 32768 : i32
    %broadcast_in_dim3A_17 = vector.broadcast %broadcast_in_dim3A_16 : i32 to vector<8x1xi32>
    %scan3A = arith.constant 6553 : i32
    %scan3A_18 = arith.constant 0 : i32
    %scan3A_19 = arith.constant 12 : i32
    %scan3A_20 = arith.addi %scan3A_18, %scan3A_19 : i32
    %scan3A_21 = arith.constant 1 : i32
    %scan3A_22:4 = scf.for %scan3A_103 = %scan3A_18 to %scan3A_20 step %scan3A_21 iter_args(%scan3A_104 = %broadcast_in_dim3A_15, %scan3A_105 = %broadcast_in_dim3A_15, %scan3A_106 = %broadcast_in_dim3A_17, %scan3A_107 = %broadcast_in_dim3A_17) -> (vector<8x1xi32>, vector<8x1xi32>, vector<8x1xi32>, vector<8x1xi32>)  : i32 {
      %sub3A_108 = arith.constant 11 : i32
      %sub3A_109 = arith.subi %sub3A_108, %scan3A_103 : i32
      %shift_left3A = arith.constant 1 : i32
      %shift_left3A_110 = arith.shli %shift_left3A, %sub3A_109 : i32
      %or3A = vector.broadcast %shift_left3A_110 : i32 to vector<8x1xi32>
      %or3A_111 = arith.ori %scan3A_104, %or3A : vector<8x1xi32>
      %or3A_112 = vector.broadcast %shift_left3A_110 : i32 to vector<8x1xi32>
      %or3A_113 = arith.ori %scan3A_105, %or3A_112 : vector<8x1xi32>
      %ge3A_114 = vector.broadcast %or3A_111 : vector<8x1xi32> to vector<8x32768xi32>
      %ge3A_115 = arith.cmpi uge, %shift_right_logical3A_13, %ge3A_114 : vector<8x32768xi32>
      %convert_element_type3A_116 = arith.extui %ge3A_115 : vector<8x32768xi1> to vector<8x32768xi32>
      %reduce_sum3A_117 = arith.constant dense<0> : vector<8xi32>
      %reduce_sum3A_118 = vector.multi_reduction <add>, %convert_element_type3A_116, %reduce_sum3A_117 [1] : vector<8x32768xi32> to vector<8xi32>
      %broadcast_in_dim3A_119 = vector.shape_cast %reduce_sum3A_118 : vector<8xi32> to vector<8x1xi32>
      %xor3A_120 = arith.constant 4095 : i32
      %xor3A_121 = vector.broadcast %xor3A_120 : i32 to vector<8x1xi32>
      %xor3A_122 = arith.xori %or3A_113, %xor3A_121 : vector<8x1xi32>
      %le3A_123 = vector.broadcast %xor3A_122 : vector<8x1xi32> to vector<8x32768xi32>
      %le3A_124 = arith.cmpi ule, %shift_right_logical3A_13, %le3A_123 : vector<8x32768xi32>
      %convert_element_type3A_125 = arith.extui %le3A_124 : vector<8x32768xi1> to vector<8x32768xi32>
      %reduce_sum3A_126 = arith.constant dense<0> : vector<8xi32>
      %reduce_sum3A_127 = vector.multi_reduction <add>, %convert_element_type3A_125, %reduce_sum3A_126 [1] : vector<8x32768xi32> to vector<8xi32>
      %broadcast_in_dim3A_128 = vector.shape_cast %reduce_sum3A_127 : vector<8xi32> to vector<8x1xi32>
      %ge3A_129 = vector.broadcast %scan3A : i32 to vector<8x1xi32>
      %ge3A_130 = arith.cmpi sge, %broadcast_in_dim3A_119, %ge3A_129 : vector<8x1xi32>
      %ge3A_131 = vector.broadcast %scan3A : i32 to vector<8x1xi32>
      %ge3A_132 = arith.cmpi sge, %broadcast_in_dim3A_128, %ge3A_131 : vector<8x1xi32>
      %select_n3A_133 = arith.select %ge3A_130, %or3A_111, %scan3A_104 : vector<8x1xi1>, vector<8x1xi32>
      %select_n3A_134 = arith.select %ge3A_130, %broadcast_in_dim3A_119, %scan3A_106 : vector<8x1xi1>, vector<8x1xi32>
      %select_n3A_135 = arith.select %ge3A_132, %or3A_113, %scan3A_105 : vector<8x1xi1>, vector<8x1xi32>
      %select_n3A_136 = arith.select %ge3A_132, %broadcast_in_dim3A_128, %scan3A_107 : vector<8x1xi1>, vector<8x1xi32>
      scf.yield %select_n3A_133, %select_n3A_135, %select_n3A_134, %select_n3A_136 : vector<8x1xi32>, vector<8x1xi32>, vector<8x1xi32>, vector<8x1xi32>
    }
    %scan3A_23 = arith.constant 12 : i32
    %xor3A_24 = arith.constant 4095 : i32
    %xor3A_25 = vector.broadcast %xor3A_24 : i32 to vector<8x1xi32>
    %xor3A_26 = arith.xori %scan3A_22#1, %xor3A_25 : vector<8x1xi32>
    %ge3A = vector.broadcast %scan3A_22#0 : vector<8x1xi32> to vector<8x32768xi32>
    %ge3A_27 = arith.cmpi uge, %shift_right_logical3A_13, %ge3A : vector<8x32768xi32>
    %eq3A_28 = vector.broadcast %scan3A_22#0 : vector<8x1xi32> to vector<8x32768xi32>
    %eq3A_29 = arith.cmpi eq, %shift_right_logical3A_13, %eq3A_28 : vector<8x32768xi32>
    %le3A = vector.broadcast %xor3A_26 : vector<8x1xi32> to vector<8x32768xi32>
    %le3A_30 = arith.cmpi ule, %shift_right_logical3A_13, %le3A : vector<8x32768xi32>
    %eq3A_31 = vector.broadcast %xor3A_26 : vector<8x1xi32> to vector<8x32768xi32>
    %eq3A_32 = arith.cmpi eq, %shift_right_logical3A_13, %eq3A_31 : vector<8x32768xi32>
    %jit3A_33 = arith.constant 0.000000e+00 : f32
    %broadcast_in_dim3A_34 = vector.broadcast %jit3A_33 : f32 to vector<8x32768xf32>
    %select_n3A_35 = arith.select %ge3A_27, %get3A_4, %broadcast_in_dim3A_34 : vector<8x32768xi1>, vector<8x32768xf32>
    %reduce_sum3A = arith.constant dense<0.000000e+00> : vector<8xf32>
    %reduce_sum3A_36 = vector.multi_reduction <add>, %select_n3A_35, %reduce_sum3A [1] : vector<8x32768xf32> to vector<8xf32>
    %broadcast_in_dim3A_37 = vector.shape_cast %reduce_sum3A_36 : vector<8xf32> to vector<8x1xf32>
    %jit3A_38 = arith.constant 0.000000e+00 : f32
    %broadcast_in_dim3A_39 = vector.broadcast %jit3A_38 : f32 to vector<8x32768xf32>
    %select_n3A_40 = arith.select %eq3A_29, %get3A_4, %broadcast_in_dim3A_39 : vector<8x32768xi1>, vector<8x32768xf32>
    %reduce_sum3A_41 = arith.constant dense<0.000000e+00> : vector<8xf32>
    %reduce_sum3A_42 = vector.multi_reduction <add>, %select_n3A_40, %reduce_sum3A_41 [1] : vector<8x32768xf32> to vector<8xf32>
    %broadcast_in_dim3A_43 = vector.shape_cast %reduce_sum3A_42 : vector<8xf32> to vector<8x1xf32>
    %jit3A_44 = arith.constant 0.000000e+00 : f32
    %broadcast_in_dim3A_45 = vector.broadcast %jit3A_44 : f32 to vector<8x32768xf32>
    %select_n3A_46 = arith.select %le3A_30, %get3A_4, %broadcast_in_dim3A_45 : vector<8x32768xi1>, vector<8x32768xf32>
    %reduce_sum3A_47 = arith.constant dense<0.000000e+00> : vector<8xf32>
    %reduce_sum3A_48 = vector.multi_reduction <add>, %select_n3A_46, %reduce_sum3A_47 [1] : vector<8x32768xf32> to vector<8xf32>
    %broadcast_in_dim3A_49 = vector.shape_cast %reduce_sum3A_48 : vector<8xf32> to vector<8x1xf32>
    %jit3A_50 = arith.constant 0.000000e+00 : f32
    %broadcast_in_dim3A_51 = vector.broadcast %jit3A_50 : f32 to vector<8x32768xf32>
    %select_n3A_52 = arith.select %eq3A_32, %get3A_4, %broadcast_in_dim3A_51 : vector<8x32768xi1>, vector<8x32768xf32>
    %reduce_sum3A_53 = arith.constant dense<0.000000e+00> : vector<8xf32>
    %reduce_sum3A_54 = vector.multi_reduction <add>, %select_n3A_52, %reduce_sum3A_53 [1] : vector<8x32768xf32> to vector<8xf32>
    %broadcast_in_dim3A_55 = vector.shape_cast %reduce_sum3A_54 : vector<8xf32> to vector<8x1xf32>
    %convert_element_type3A = arith.extui %eq3A_29 : vector<8x32768xi1> to vector<8x32768xi32>
    %reduce_sum3A_56 = arith.constant dense<0> : vector<8xi32>
    %reduce_sum3A_57 = vector.multi_reduction <add>, %convert_element_type3A, %reduce_sum3A_56 [1] : vector<8x32768xi32> to vector<8xi32>
    %broadcast_in_dim3A_58 = vector.shape_cast %reduce_sum3A_57 : vector<8xi32> to vector<8x1xi32>
    %convert_element_type3A_59 = arith.extui %eq3A_32 : vector<8x32768xi1> to vector<8x32768xi32>
    %reduce_sum3A_60 = arith.constant dense<0> : vector<8xi32>
    %reduce_sum3A_61 = vector.multi_reduction <add>, %convert_element_type3A_59, %reduce_sum3A_60 [1] : vector<8x32768xi32> to vector<8xi32>
    %broadcast_in_dim3A_62 = vector.shape_cast %reduce_sum3A_61 : vector<8xi32> to vector<8x1xi32>
    %sub3A = arith.subi %scan3A_22#2, %broadcast_in_dim3A_58 : vector<8x1xi32>
    %convert_element_type3A_63 = arith.sitofp %sub3A : vector<8x1xi32> to vector<8x1xf32>
    %sub3A_64 = arith.subi %scan3A_22#3, %broadcast_in_dim3A_62 : vector<8x1xi32>
    %convert_element_type3A_65 = arith.sitofp %sub3A_64 : vector<8x1xi32> to vector<8x1xf32>
    %sub3A_66 = arith.subf %broadcast_in_dim3A_37, %broadcast_in_dim3A_43 : vector<8x1xf32>
    %sub3A_67 = arith.constant 6.553000e+03 : f32
    %sub3A_68 = vector.broadcast %sub3A_67 : f32 to vector<8x1xf32>
    %sub3A_69 = arith.subf %sub3A_68, %convert_element_type3A_63 : vector<8x1xf32>
    %mul3A = arith.mulf %sub3A_69, %broadcast_in_dim3A_43 : vector<8x1xf32>
    %convert_element_type3A_70 = arith.sitofp %broadcast_in_dim3A_58 : vector<8x1xi32> to vector<8x1xf32>
    %div3A = arith.divf %mul3A, %convert_element_type3A_70 : vector<8x1xf32>
    %add3A = arith.addf %sub3A_66, %div3A : vector<8x1xf32>
    %sub3A_71 = arith.subf %broadcast_in_dim3A_49, %broadcast_in_dim3A_55 : vector<8x1xf32>
    %sub3A_72 = arith.constant 6.553000e+03 : f32
    %sub3A_73 = vector.broadcast %sub3A_72 : f32 to vector<8x1xf32>
    %sub3A_74 = arith.subf %sub3A_73, %convert_element_type3A_65 : vector<8x1xf32>
    %mul3A_75 = arith.mulf %sub3A_74, %broadcast_in_dim3A_55 : vector<8x1xf32>
    %convert_element_type3A_76 = arith.sitofp %broadcast_in_dim3A_62 : vector<8x1xi32> to vector<8x1xf32>
    %div3A_77 = arith.divf %mul3A_75, %convert_element_type3A_76 : vector<8x1xf32>
    %add3A_78 = arith.addf %sub3A_71, %div3A_77 : vector<8x1xf32>
    %sub3A_79 = arith.subf %add3A, %add3A_78 : vector<8x1xf32>
    %div3A_80 = arith.constant 6.553000e+03 : f32
    %div3A_81 = vector.broadcast %div3A_80 : f32 to vector<8x1xf32>
    %div3A_82 = arith.divf %sub3A_79, %div3A_81 : vector<8x1xf32>
    %sub3A_83 = arith.constant 1.000000e+00 : f32
    %sub3A_84 = vector.broadcast %sub3A_83 : f32 to vector<8x1xf32>
    %sub3A_85 = arith.subf %sub3A_84, %div3A_82 : vector<8x1xf32>
    %max3A = arith.constant 0.000000e+00 : f32
    %max3A_86 = vector.broadcast %max3A : f32 to vector<8x1xf32>
    %max3A_87 = arith.maximumf %sub3A_85, %max3A_86 : vector<8x1xf32>
    %reduce_sum3A_88 = vector.shape_cast %max3A_87 : vector<8x1xf32> to vector<1x8x1xf32>
    %reduce_sum3A_89 = arith.constant dense<0.000000e+00> : vector<1xf32>
    %reduce_sum3A_90 = vector.multi_reduction <add>, %reduce_sum3A_88, %reduce_sum3A_89 [1, 2] : vector<1x8x1xf32> to vector<1xf32>
    %reduce_sum3A_91 = vector.shape_cast %reduce_sum3A_90 : vector<1xf32> to vector<1x1x1xf32>
    %reduce_sum3A_92 = vector.extract %reduce_sum3A_91[0, 0, 0] : f32 from vector<1x1x1xf32>
    %div3A_93 = arith.constant 6.400000e+01 : f32
    %div3A_94 = arith.divf %reduce_sum3A_92, %div3A_93 : f32
    %eq3A_95 = arith.constant 0 : i32
    %eq3A_96 = arith.cmpi eq, %arg0, %eq3A_95 : i32
    %convert_element_type3A_97 = arith.extui %eq3A_96 : i1 to i32
    %cond3A = arith.constant 0 : i32
    %cond3A_98 = arith.cmpi ne, %convert_element_type3A_97, %cond3A : i32
    scf.if %cond3A_98 {
      %swap3A = arith.constant 0 : index
      %swap3A_103 = arith.constant 0 : index
      %swap3A_104 = memref.load %arg3[%swap3A, %swap3A_103] : memref<1x1xf32, #tpu.memory_space<smem>>
      memref.store %div3A_94, %arg3[%swap3A, %swap3A_103] : memref<1x1xf32, #tpu.memory_space<smem>>
    } else {
    }
    %ne3A = arith.constant 0 : i32
    %ne3A_99 = arith.cmpi ne, %arg0, %ne3A : i32
    %convert_element_type3A_100 = arith.extui %ne3A_99 : i1 to i32
    %cond3A_101 = arith.constant 0 : i32
    %cond3A_102 = arith.cmpi ne, %convert_element_type3A_100, %cond3A_101 : i32
    scf.if %cond3A_102 {
      %get3A_103 = arith.constant 0 : index
      %get3A_104 = arith.constant 0 : index
      %get3A_105 = memref.load %arg3[%get3A_103, %get3A_104] : memref<1x1xf32, #tpu.memory_space<smem>>
      %add3A_106 = arith.addf %get3A_105, %div3A_94 : f32
      %swap3A = arith.constant 0 : index
      %swap3A_107 = arith.constant 0 : index
      %swap3A_108 = memref.load %arg3[%swap3A, %swap3A_107] : memref<1x1xf32, #tpu.memory_space<smem>>
      memref.store %add3A_106, %arg3[%swap3A, %swap3A_107] : memref<1x1xf32, #tpu.memory_space<smem>>
    } else {
    }
    return
  }
  func.func @transform_0(%arg0: i32) -> (i32, i32) {
    %c0_i32 = arith.constant 0 : i32
    %c0_i32_0 = arith.constant 0 : i32
    return %arg0, %c0_i32 : i32, i32
  }
  func.func @transform_1(%arg0: i32) -> (i32, i32) {
    %c0_i32 = arith.constant 0 : i32
    %c0_i32_0 = arith.constant 0 : i32
    return %arg0, %c0_i32 : i32, i32
  }
  func.func @transform_2(%arg0: i32) -> (i32, i32) {
    %c0_i32 = arith.constant 0 : i32
    %c0_i32_0 = arith.constant 0 : i32
    %c0_i32_1 = arith.constant 0 : i32
    return %c0_i32, %c0_i32_0 : i32, i32
  }
}

</mosaic_0001>

<sc_bundles>
// kernel: kernel.4.cloned.1.call-start
scs
__scs_entry_jumppad:
0x0: {  	(pc) =	sbr.rel $0x88, $3  }
0x1: {  	(tag) =	ssettag $0x0;
	lr =	simm.s32 $0x1  }
0x2: {  	[smem:$0x3F9F] =	sst lr;
	_ =	strace $0xD0000000  }
0x3: {  	_ = 	snop  }
0x4: {  	_ = 	snop  }
0x5: {  	_ = 	snop  }
0x6: {  	_ = 	snop  }
0x7: {  	_ = 	snop  }
__scs_overlays_trampoline_lowered:
0x8: {  	[smem:$0x3FAE] =	sst s0  }
0x9: {  	[smem:$0x3FAF] =	sst s1  }
0xa: {  	[smem:$0x3FB0] =	sst s2  }
0xb: {  	[smem:$0x3FB1] =	sst s3  }
0xc: {  	[smem:$0x3FB2] =	sst s4  }
0xd: {  	[smem:$0x3FB3] =	sst s5  }
0xe: {  	[smem:$0x3FB4] =	sst s6  }
0xf: {  	[smem:$0x3FB5] =	sst s7  }
0x10: {  	[smem:$0x3FB6] =	sst s8  }
0x11: {  	[smem:$0x3FB7] =	sst s9;
	s0 =	simm.s32 @!p0 $0x0  }
0x12: {  	s1 =	sld [smem:$0x3F9D];
	s0 =	simm.s32 @p0 $0x1  }
0x13: {  	[smem:$0x3FB8] =	sst s0;
	s0 =	simm.s32 @!p1 $0x0  }
0x14: {  	s2 =	sld [smem:$0x3F9C];
	s0 =	simm.s32 @p1 $0x1  }
0x15: {  	[smem:$0x3FB9] =	sst s0;
	s0 =	simm.s32 @!p2 $0x0  }
0x16: {  	s3 =	sld [smem:$0x3FDB];
	s0 =	simm.s32 @p2 $0x1  }
0x17: {  	s4 =	simm.s32 $0x1BF5;
	[smem:$0x3FBB] =	sst s0  }
0x18: {  	s0 =	sld [smem:$0x3F9E];
	_ =	swait.ge [sflag:s4], $0x0  }
0x19: {  	s7 =	sld [smem:$0x3F9F]  }
0x1a: {  	s8 =	sadd.s32 $0xFFFFE003, lr  }
0x1b: {  	s9 =	sadd.s32 $0xFFFFFEF7, lr;
	s5 =	simm.s32 $0xFFFFFFFF;
	p2 =	slt.u32 s8, $0xFFFFF086  }
0x1c: {  	p1 =	slt.u32 s9, $0xF7A;
	s5 =	simm.s32 @!p2 $0x0  }
0x1d: {  	s5 =	simm.s32 @p1 $0x1;
	p0 =	seq.s32 s7, s2  }
0x1e: {  	s7 =	smul.u32 @!p0 $0xF7A, s2;
	p2 =	seq.s32 @!p0 s5, $0x0  }
0x1f: {  	s9 =	smul.u32 $0xF7A, s1;
	s8 =	simm.s32 @!p0 $0x1BF5;
	p2 =	por !p2, p0  }
0x20: {  	[sflag:s8] =	ssyncset.s32 @!p0 $0xFFFFF086;
	s6 =	sadd.s32 @!p0 s3, s7;
	s7 =	simm.s32 @!p0 $0x108  }
0x21: {  	s3 =	sadd.s32 s3, s9;
	s6 =	sadd.s32 @!p0 $0x88, s6;
	s7 =	simm.s32 @p2 $0x1082  }
0x22: {  	[simem:s7], [sflag:s8] =	dma.local @!p0 [hbm:s6], $0xF7A  }
0x23: {  	s9 =	sor.u32 $0xD0000000, s2;
	s6 =	simm.s32 $0x108;
	_ =	swait.ge @!p0 [sflag:s8], $0x0  }
0x24: {  	s3 =	sadd.s32 $0x88, s3;
	s6 =	simm.s32 @!p1 $0x1082;
	[sflag:s4] =	ssyncset.s32 $0xFFFFF086  }
0x25: {  	[simem:s6], [sflag:s4] =	dma.local [hbm:s3], $0xF7A  }
0x26: {  	[smem:$0x3F9F] =	sst s1;
	(tag) =	ssettag s2;
	_ =	strace s9  }
0x27: {  	s1 =	sld [smem:$0x3FAF]  }
0x28: {  	s2 =	sld [smem:$0x3FB0]  }
0x29: {  	s4 =	sld [smem:$0x3FB2]  }
0x2a: {  	p0 =	seq.s32 s5, $0x0;
	s5 =	sld [smem:$0x3FB3]  }
0x2b: {  	s6 =	sld [smem:$0x3FB4]  }
0x2c: {  	s7 =	sld [smem:$0x3FB5]  }
0x2d: {  	s3 =	simm.s32 $0x108;
	s8 =	sld [smem:$0x3FB6]  }
0x2e: {  	s3 =	simm.s32 @!p0 $0x1082;
	s9 =	sld [smem:$0x3FB7]  }
0x2f: {  	lr =	sadd.s32 s0, s3;
	s0 =	sld [smem:$0x3FAE]  }
0x30: {  	s3 =	sld [smem:$0x3FB1]  }
0x31: {  	[smem:$0x3FBA] =	sst s10  }
0x32: {  	s10 =	sld [smem:$0x3FB8];
	_ =	sdelay $0x3  }
0x33: {  	p0 =	seq.s32 s10, $0x1;
	s10 =	sld [smem:$0x3FBA];
	_ =	sdelay $0x3  }
0x34: {  	[smem:$0x3FBA] =	sst s10  }
0x35: {  	s10 =	sld [smem:$0x3FB9];
	_ =	sdelay $0x3  }
0x36: {  	p1 =	seq.s32 s10, $0x1;
	s10 =	sld [smem:$0x3FBA];
	_ =	sdelay $0x3  }
0x37: {  	[smem:$0x3FBA] =	sst s10  }
0x38: {  	s10 =	sld [smem:$0x3FBB]  }
0x39: {  	_ = 	snop;
	(pc) =	sbr.ind lr, $3  }
0x3a: {  	_ = 	snop  }
0x3b: {  	_ = 	snop  }
0x3c: {  	p2 =	seq.s32 s10, $0x1;
	s10 =	sld [smem:$0x3FBA]  }
0x3d: {  	_ =	shalt  }
0x3e: {  	_ =	shalt  }
0x3f: {  	_ =	shalt  }
0x40: {  	_ =	shalt  }
0x41: {  	_ =	shalt  }
0x42: {  	_ =	shalt  }
0x43: {  	_ =	shalt  }
0x44: {  	_ =	shalt  }
0x45: {  	_ =	shalt  }
0x46: {  	_ =	shalt  }
0x47: {  	_ =	shalt  }
0x48: {  	_ =	shalt  }
0x49: {  	_ =	shalt  }
0x4a: {  	_ =	shalt  }
0x4b: {  	_ =	shalt  }
0x4c: {  	_ =	shalt  }
0x4d: {  	_ =	shalt  }
0x4e: {  	_ =	shalt  }
0x4f: {  	_ =	shalt  }
0x50: {  	_ =	shalt  }
0x51: {  	_ =	shalt  }
0x52: {  	_ =	shalt  }
0x53: {  	_ =	shalt  }
0x54: {  	_ =	shalt  }
0x55: {  	_ =	shalt  }
0x56: {  	_ =	shalt  }
0x57: {  	_ =	shalt  }
0x58: {  	_ =	shalt  }
0x59: {  	_ =	shalt  }
0x5a: {  	_ =	shalt  }
0x5b: {  	_ =	shalt  }
0x5c: {  	_ =	shalt  }
0x5d: {  	_ =	shalt  }
0x5e: {  	_ =	shalt  }
0x5f: {  	_ =	shalt  }
0x60: {  	_ =	shalt  }
0x61: {  	_ =	shalt  }
0x62: {  	_ =	shalt  }
0x63: {  	_ =	shalt  }
0x64: {  	_ =	shalt  }
0x65: {  	_ =	shalt  }
0x66: {  	_ =	shalt  }
0x67: {  	_ =	shalt  }
0x68: {  	_ =	shalt  }
0x69: {  	_ =	shalt  }
0x6a: {  	_ =	shalt  }
0x6b: {  	_ =	shalt  }
0x6c: {  	_ =	shalt  }
0x6d: {  	_ =	shalt  }
0x6e: {  	_ =	shalt  }
0x6f: {  	_ =	shalt  }
0x70: {  	_ =	shalt  }
0x71: {  	_ =	shalt  }
0x72: {  	_ =	shalt  }
0x73: {  	_ =	shalt  }
0x74: {  	_ =	shalt  }
0x75: {  	_ =	shalt  }
0x76: {  	_ =	shalt  }
0x77: {  	_ =	shalt  }
0x78: {  	_ =	shalt  }
0x79: {  	_ =	shalt  }
0x7a: {  	_ =	shalt  }
0x7b: {  	_ =	shalt  }
0x7c: {  	_ =	shalt  }
0x7d: {  	_ =	shalt  }
0x7e: {  	_ =	shalt  }
0x7f: {  	_ =	shalt  }
0x80: {  	_ =	shalt  }
0x81: {  	_ =	shalt  }
0x82: {  	_ =	shalt  }
0x83: {  	_ =	shalt  }
0x84: {  	_ =	shalt  }
0x85: {  	_ =	shalt  }
0x86: {  	_ =	shalt  }
0x87: {  	_ =	shalt  }
.Lfunc_end0:
.L_simem_size_0:
called_computation_lowered:
.L_overlay_start_0:
0x88: {  	s2 =	sld [smem:$0x3FD9]  }
0x89: {  	s3 =	sld [smem:$0x3FFE];
	_ =	sdelay $0x1  }
0x8a: {  	s1 =	srdreg.scid  }
0x8b: {  	s0 =	sand.u32 $0x1, s1  }
0x8c: {  	s17 =	sshll.u32 s0, $0xA;
	s2 =	sadd.s32 s3, s2  }
0x8d: {  	s2 =	sadd.s32 s2, s17  }
0x8e: {  	[smem:$0x3FC6] =	sst s2  }
0x8f: {  	_ = 	snop  }
0x90: {  	s2 =	sld [smem:$0x3FC9]  }
0x91: {  	s18 =	sld [smem:$0x3FC8];
	(tm) =	ssettm $0x1  }
0x92: {  	s4 =	sld [smem:$0x3FFB];
	_ =	sdelay $0x3  }
0x93: {  	_ =	strace s4  }
0x94: {  	s4 =	sld [smem:$0x3FFC];
	_ =	sdelay $0x3  }
0x95: {  	_ =	strace s4  }
0x96: {  	s4 =	sld [smem:$0x3FFD];
	_ =	sdelay $0x3  }
0x97: {  	_ =	strace s4  }
0x98: {  	_ =	strace $0x8FFFFFFF  }
0x99: {  	s19 =	sld [smem:$0x3FDB];
	_ =	sdelay $0x1  }
0x9a: {  	s5 =	simm.s32 $_scs_section_size  }
0x9b: {  	s6 =	simm.s32 $_size__tile_overlayer_lowered;
	s7 =	simm.s32 $_tile_overlayer_lowered  }
0x9c: {  	s22 =	simm.s32 $0x1BFF;
	s21 =	sshll.u32 s7, $0x1;
	s4 =	sadd.s32 s5, s19  }
0x9d: {  	s8 =	simm.s32 $0x0;
	s20 =	sshll.u32 s6, $0x1;
	s6 =	sadd.s32 s21, s4  }
0x9e: {  	[timem:s8], [sflag:s22] =	dma.local [hbm:s6], s20  }
0x9f: {  	_ =	swait.ge [sflag:s22], s20  }
0xa0: {  	s5 =	ssub.s32 $0x0, s20;
	[sflag:s22] =	ssyncset.done $0x0  }
0xa1: {  	[sflag:s22] =	ssyncadd.s32 s5;
	_ =	sdelay $0x1  }
0xa2: {  	s23 =	simm.s32 $0x1B8B  }
0xa3: {  	_ =	swait.ge [sflag:s23], $0x1  }
0xa4: {  	[sflag:s23] =	ssyncset.done $0x0  }
0xa5: {  	s25 =	simm.s32 $0x1B8E;
	s24 =	sld [smem:$0x3FFE];
	[sflag:s23] =	ssyncadd.s32 $0xFFFFFFFF  }
0xa6: {  	s26 =	simm.s32 $execute0_lowered;
	[smem:$0x3FD2] =	sst s25  }
0xa7: {  	s6 =	sshll.u32 s26, $0x1;
	_ =	strace $0x80000046;
	[dreg:$0x1] =	wrdreg $0xFFFFFFFF  }
0xa8: {  	s28 =	simm.s32 $_size_execute0_lowered;
	s4 =	sadd.s32 s4, s6;
	[dreg:$0x0] =	wrdreg $0x0  }
0xa9: {  	s6 =	sshll.u32 s28, $0x1;
	[dreg:$0x2] =	wrdreg s4  }
0xaa: {  	[dreg:$0x3] =	wrdreg s6  }
0xab: {  	[dreg:$0x4] =	wrdreg $0xC0  }
0xac: {  	_ =	task [dreg:s8], $0x5FFFF  }
0xad: {  	[dreg:$0x1] =	wrdreg $0xFFFFFFFF  }
0xae: {  	[dreg:$0x0] =	wrdreg $0x60  }
0xaf: {  	[dreg:$0x2] =	wrdreg s2  }
0xb0: {  	[dreg:$0x3] =	wrdreg s18  }
0xb1: {  	[dreg:$0x4] =	wrdreg s24  }
0xb2: {  	[dreg:$0x5] =	wrdreg $0x9  }
0xb3: {  	_ =	task.clear_ibuf [dreg:s8], $0x6FFFF;
	_ =	strace $0x90000046  }
0xb4: {  	s29 =	simm.s32 $0x9;
	_ =	strace $0x80000048  }
0xb5: {  	_ =	swait.ge [sflag:s29], $0x1  }
0xb6: {  	[sflag:s29] =	ssyncadd.s32 $0xFFFFFFFF  }
0xb7: {  	_ =	strace $0x90000048  }
0xb8: {  	_ =	sfence  }
0xb9: {  	s30 =	sld [smem:$0x0];
	_ =	sdelay $0x2  }
0xba: {  	s31 =	sshll.u32 s1, $0xD;
	s1 =	sshrl.u32 s1, $0x2  }
0xbb: {  	s3 =	sand.u32 $0x4000, s31;
	s1 =	sadd.s32 s1, s30  }
0xbc: {  	s0 =	sor.u32 s3, s0;
	s1 =	sshll.u32 s1, $0x11  }
0xbd: {  	s0 =	sor.u32 s1, s0  }
0xbe: {  	s0 =	sadd.s32 $0x8F2B, s0  }
0xbf: {  	[sflag:s0] =	ssyncadd.remote.s32 $0x1  }
0xc0: {  	_ =	sfence.sel $0xFFFF  }
0xc1: {  	[dreg:$0x0] =	wrdreg $0xFFFFFFFF;
	(pc) =	sbr.abs _section_cstart, $3  }
0xc2: {  	[dreg:$0x1] =	wrdreg $0xFFFFFFFF  }
0xc3: {  	_ =	task.clear_ibuf [dreg:s8], $0x2FFFF;
	_ =	strace $0x9FFFFFFF  }
0xc4: {  	(tm) =	ssettm $0x7FFFFFFF  }
0xc5: {  	_ =	shalt  }
tec
execute0_lowered:
.L_overlay_start_1:
0x0: {  	(tag) =	ssettag $0x1  }
0x1: {  	s0 =	rddreg [dreg:$0x0]  }
0x2: {  	s1 =	rddreg [dreg:$0x1]  }
0x3: {  	s2 =	rddreg [dreg:$0x2]  }
0x4: {  	s3 =	srdreg.scid;
	s7 =	stileid.u32  }
0x5: {  	s8 =	simm.s32 $0x0;
	s10 =	simm.s32 $0x2;
	s11 =	simm.s32 $0x18000  }
0x6: {  	s12 =	simm.s32 $0x19000;
	s13 =	simm.s32 $0x1;
	s15 =	simm.s32 $0x0  }
0x7: {  	s3 =	sand.u32 $0x1, s3;
	s4 =	sshll.u32 s7, $0x8;
	s7 =	sshll.u32 s7, $0x10  }
0x8: {  	[smem:$0x7FF] =	sst s8;
	s5 =	sshll.u32 s3, $0x7;
	s6 =	sand.u32 $0x300, s4  }
0x9: {  	s29 =	sand.u32 $0xC0000, s7;
	_ =	strace $0x80000047;
	s5 =	sor.u32 s5, s6  }
0xa: {  	s4 =	sand.u32 $0xC00, s4;
	s3 =	ssub.s32 $0x2, s3;
	s6 =	sor.u32 s29, s5  }
0xb: {  	s31 =	sshrl.u32 s3, $0x1;
	s4 =	sor.u32 s4, s5;
	s30 =	sshrl.u32 s6, $0x3  }
0xc: {  	s4 =	sshrl.u32 s4, $0x3;
	s6 =	ssub.s32 s3, s31;
	s5 =	sor.u32 $0x20000, s30  }
0xd: {  	s2 =	sadd.s32 s4, s2;
	s6 =	smax.u32 s6, $0x1;
	s0 =	sadd.s32 s0, s5  }
0xe: {  	v0 =	vimm.s32 $0x0;
	v1 =	vlaneseq.u32;
	v2 =	vimm.s32 $0x1;
	s4 =	sadd.s32 s1, s5;
	s5 =	sadd.s32 $0x400, s2;
	[dreg:$0x4] =	wrdreg s0  }
.LBB2_1:
0xf: {  	s0 =	rddreg [dreg:$0x4]  }
0x10: {  	s1 =	simm.s32 $0x80;
	s2 =	simm.s32 $0x400;
	s3 =	simm.s32 $0x8000  }
0x11: {  	[tilespmem:s3], [sflag:$0x1] =	stream.strided.gather [hbm4b:s0+s1], $0x8000, s2, s1, $0x38;
	[tilespmem:$0x1A080] =	vst v63  }
0x12: {  	_ = 	snop  }
0x13: {  	[tilespmem:s8], [sflag:$0x2] =	stream.strided.gather [hbm4b:s4+s1], $0x8000, s2, s1, $0x38;
	[tilespmem:$0x1A080] =	vst v63  }
0x14: {  	_ =	swait.ge [sflag:s10], $0x8000  }
0x15: {  	[sflag:s10] =	ssyncset.done $0x0  }
0x16: {  	s1 =	simm.s32 $0x18040;
	[sflag:s10] =	ssyncadd.s32 $0xFFFF8000  }
0x17: {  	[tilespmem:s1+$0xFFFFFFC0] =	vst v0  }
0x18: {  	[tilespmem:s1+$0x30] =	vst v0  }
0x19: {  	[tilespmem:s1+$0x20] =	vst v0  }
0x1a: {  	[tilespmem:s1+$0x10] =	vst v0  }
0x1b: {  	[tilespmem:s1+$0x0] =	vst v0  }
0x1c: {  	[tilespmem:s1+$0xFFFFFFF0] =	vst v0  }
0x1d: {  	s7 =	simm.s32 $0x0;
	s0 =	simm.s32 $0x10040;
	[tilespmem:s1+$0xFFFFFFE0] =	vst v0  }
.LBB2_2:
0x1e: {  	s7 =	sadd.s32 $0x8, s7;
	[tilespmem:s1+$0xFFFFFFD0] =	vst v0;
	s1 =	sadd.s32 $0x80, s1;
	s2 =	simm.s32 $0x40  }
0x1f: {  	[tilespmem:s1+$0xFFFFFFC0] =	vst v0;
	p0 =	slt.u32 s7, $0xF8  }
0x20: {  	[tilespmem:s1+$0x30] =	vst v0  }
.Ltmp0:
0x21: {  	[tilespmem:s1+$0x20] =	vst v0;
	(pc) =	sbr.rel @p0 .LBB2_2-.Ltmp0, $4  }
0x22: {  	[tilespmem:s1+$0x10] =	vst v0  }
0x23: {  	[tilespmem:s1+$0x0] =	vst v0  }
0x24: {  	[tilespmem:s1+$0xFFFFFFF0] =	vst v0  }
0x25: {  	[tilespmem:s1+$0xFFFFFFE0] =	vst v0  }
0x26: {  	[tilespmem:s1+$0xFFFFFFD0] =	vst v0  }
0x27: {  	v3 =	vld [tilespmem:s2+$0xFFFFFFE0]  }
0x28: {  	v4 =	vld [tilespmem:s2+$0xFFFFFFC0]  }
0x29: {  	v9 =	vld [tilespmem:s2+$0x0]  }
0x2a: {  	v5 =	vld [tilespmem:s2+$0x10];
	_ =	sdelay $0x2  }
0x2b: {  	v6 =	vld [tilespmem:s2+$0xFFFFFFF0]  }
0x2c: {  	v7 =	vld [tilespmem:s2+$0x30];
	v8 =	vshra.s32 v3, $0x1F;
	v10 =	vshra.s32 v4, $0x1F;
	v15 =	vshra.s32 v9, $0x1F  }
0x2d: {  	v11 =	vld [tilespmem:s2+$0xFFFFFFD0];
	v12 =	vshra.s32 v5, $0x1F;
	v8 =	vor.u32 $0x80000000, v8;
	v15 =	vor.u32 $0x80000000, v15  }
0x2e: {  	v3 =	vxor.u32 v3, v8;
	v8 =	vor.u32 $0x80000000, v10;
	v9 =	vxor.u32 v9, v15  }
0x2f: {  	v10 =	vld [tilespmem:s2+$0x20];
	v13 =	vshrl.u32 v3, $0x14;
	v3 =	vxor.u32 v4, v8;
	v4 =	vor.u32 $0x80000000, v12  }
0x30: {  	v12 =	vshra.s32 v6, $0x1F;
	v8 =	vshrl.u32 v3, $0x14;
	v4 =	vxor.u32 v5, v4  }
0x31: {  	s31 =	simm.s32 $0xC0;
	v3 =	vshra.s32 v7, $0x1F;
	v16 =	vand.u32 $0xFF0, v13;
	v5 =	vand.u32 $0xFF0, v8  }
0x32: {  	v12 =	vor.u32 $0x80000000, v12;
	[tilespmem:s0+$0xFFFFFFE0] =	vst v13;
	v13 =	vld [tilespmem:s31+$0xFFFFFFE0];
	v14 =	vor.u32 v1, v5;
	v5 =	vshra.s32 v11, $0x1F  }
0x33: {  	v3 =	vor.u32 $0x80000000, v3;
	v15 =	vor.u32 v1, v16;
	v5 =	vor.u32 $0x80000000, v5  }
0x34: {  	v4 =	vshrl.u32 v4, $0x14;
	v17 =	vshra.s32 v10, $0x1F;
	v5 =	vxor.u32 v11, v5  }
0x35: {  	[tilespmem:s0+$0xFFFFFFC0] =	vst v8;
	v16 =	vld [tilespmem:s31+$0x10];
	v7 =	vxor.u32 v7, v3;
	v11 =	vor.u32 $0x80000000, v17;
	v8 =	vshrl.u32 v5, $0x14  }
0x36: {  	v3 =	vld [tilespmem:s31+$0x20];
	[tilespmem:s0+$0x10] =	vst v4;
	v5 =	vxor.u32 v6, v12;
	v12 =	vshrl.u32 v7, $0x14;
	v10 =	vxor.u32 v10, v11  }
0x37: {  	s16 =	simm.s32 $0x18000;
	v17 =	vld [tilespmem:s31+$0xFFFFFFC0];
	v19 =	vshra.s32 v13, $0x1F;
	[tilespmem:s0+$0xFFFFFFD0] =	vst v8;
	v6 =	vshrl.u32 v5, $0x14;
	v5 =	vshrl.u32 v9, $0x14  }
0x38: {  	v8 =	vand.u32 $0xFF0, v8;
	v10 =	vshrl.u32 v10, $0x14;
	[tilespmem:v15+s16+$0x0] =	vst.idx.add.s32.msk $0xffff, v2;
	v7 =	vand.u32 $0xFF0, v6  }
0x39: {  	[tilespmem:s0+$0x0] =	vst v5;
	v9 =	vand.u32 $0xFF0, v5;
	v5 =	vld [tilespmem:s31+$0xFFFFFFF0];
	v22 =	vor.u32 v1, v8;
	v11 =	vor.u32 v1, v7  }
0x3a: {  	[tilespmem:s0+$0xFFFFFFF0] =	vst v6;
	v6 =	vld [tilespmem:s31+$0x30];
	v18 =	vor.u32 v1, v9;
	v9 =	vand.u32 $0xFF0, v4;
	v4 =	vand.u32 $0xFF0, v12  }
0x3b: {  	[tilespmem:s0+$0x20] =	vst v10;
	v7 =	vld [tilespmem:s31+$0x0];
	v20 =	vor.u32 v1, v9;
	v9 =	vand.u32 $0xFF0, v10;
	v10 =	vor.u32 $0x80000000, v19  }
0x3c: {  	[tilespmem:s0+$0x30] =	vst v12;
	v19 =	vshra.s32 v16, $0x1F;
	v15 =	vshra.s32 v17, $0x1F;
	v21 =	vor.u32 v1, v9;
	v9 =	vld [tilespmem:s31+$0xFFFFFFD0]  }
0x3d: {  	[tilespmem:v14+s16+$0x0] =	vst.idx.add.s32.msk $0xffff, v2;
	v10 =	vxor.u32 v13, v10;
	v12 =	vor.u32 $0x80000000, v15;
	v13 =	vor.u32 $0x80000000, v19  }
0x3e: {  	v10 =	vshrl.u32 v10, $0x14;
	v8 =	vxor.u32 v17, v12;
	v12 =	vor.u32 v1, v4;
	[tilespmem:v22+s16+$0x0] =	vst.idx.add.s32.msk $0xffff, v2  }
0x3f: {  	v4 =	vshra.s32 v6, $0x1F;
	[tilespmem:v11+s16+$0x0] =	vst.idx.add.s32.msk $0xffff, v2;
	v11 =	vshrl.u32 v8, $0x14;
	v8 =	vxor.u32 v16, v13  }
0x40: {  	[tilespmem:v18+s16+$0x0] =	vst.idx.add.s32.msk $0xffff, v2;
	v18 =	vshra.s32 v5, $0x1F;
	v15 =	vor.u32 $0x80000000, v4;
	v13 =	vand.u32 $0xFF0, v11  }
0x41: {  	s1 =	simm.s32 $0x100C0;
	v17 =	vshra.s32 v7, $0x1F;
	[tilespmem:v20+s16+$0x0] =	vst.idx.add.s32.msk $0xffff, v2;
	v4 =	vor.u32 v1, v13;
	v13 =	vshra.s32 v9, $0x1F  }
0x42: {  	s9 =	simm.s32 $0x140;
	s17 =	simm.s32 $0x100C0;
	s0 =	simm.s32 $0x8;
	v14 =	vor.u32 $0x80000000, v18;
	[tilespmem:v21+s16+$0x0] =	vst.idx.add.s32.msk $0xffff, v2;
	v16 =	vor.u32 $0x80000000, v13;
	v13 =	vand.u32 $0xFF0, v10  }
.LBB2_4:
0x43: {  	s0 =	sadd.s32 $0x8, s0;
	v17 =	vor.u32 $0x80000000, v17;
	v18 =	vshra.s32 v3, $0x1F;
	v6 =	vxor.u32 v6, v15;
	s1 =	sadd.s32 $0x80, s1;
	[tilespmem:v12+s16+$0x0] =	vst.idx.add.s32.msk $0xffff, v2  }
0x44: {  	v9 =	vxor.u32 v9, v16;
	v12 =	vld [tilespmem:s9+$0x20];
	p0 =	slt.u32 s0, $0x7F8;
	[tilespmem:s17+$0xFFFFFFE0] =	vst v10;
	v7 =	vxor.u32 v7, v17;
	v10 =	vor.u32 $0x80000000, v18  }
0x45: {  	v5 =	vxor.u32 v5, v14;
	v9 =	vshrl.u32 v9, $0x14;
	v15 =	vld [tilespmem:s9+$0xFFFFFFE0];
	[tilespmem:s17+$0xFFFFFFC0] =	vst v11;
	v11 =	vor.u32 v1, v13  }
0x46: {  	v14 =	vshrl.u32 v5, $0x14;
	v16 =	vshrl.u32 v6, $0x14;
	v5 =	vshrl.u32 v7, $0x14;
	v13 =	vld [tilespmem:s9+$0x10];
	[tilespmem:s17+$0xFFFFFFD0] =	vst v9  }
0x47: {  	v6 =	vand.u32 $0xFF0, v14;
	v20 =	vxor.u32 v3, v10;
	v7 =	vand.u32 $0xFF0, v5;
	v17 =	vld [tilespmem:s9+$0xFFFFFFC0];
	[tilespmem:s17+$0x0] =	vst v5  }
0x48: {  	v8 =	vshrl.u32 v8, $0x14;
	v18 =	vor.u32 v1, v7;
	v5 =	vld [tilespmem:s9+$0xFFFFFFF0];
	[tilespmem:s17+$0xFFFFFFF0] =	vst v14;
	v14 =	vor.u32 v1, v6  }
0x49: {  	v19 =	vand.u32 $0xFF0, v9;
	v9 =	vand.u32 $0xFF0, v8;
	v10 =	vshrl.u32 v20, $0x14;
	v6 =	vld [tilespmem:s9+$0x30];
	[tilespmem:s17+$0x30] =	vst v16;
	v3 =	vmovc v12  }
0x4a: {  	v20 =	vor.u32 v1, v9;
	v9 =	vand.u32 $0xFF0, v10;
	v12 =	vshra.s32 v15, $0x1F;
	v7 =	vld [tilespmem:s9+$0x0];
	[tilespmem:s17+$0x20] =	vst v10  }
0x4b: {  	v21 =	vor.u32 v1, v9;
	v10 =	vor.u32 $0x80000000, v12;
	v12 =	vshra.s32 v13, $0x1F;
	[tilespmem:v11+s16+$0x0] =	vst.idx.add.s32.msk $0xffff, v2  }
0x4c: {  	v11 =	vshra.s32 v17, $0x1F;
	v9 =	vld [tilespmem:s9+$0xFFFFFFD0];
	v10 =	vxor.u32 v15, v10;
	[tilespmem:s17+$0x10] =	vst v8;
	v8 =	vand.u32 $0xFF0, v16;
	s17 =	smov.u32 s1  }
0x4d: {  	v19 =	vor.u32 v1, v19;
	v11 =	vor.u32 $0x80000000, v11;
	v10 =	vshrl.u32 v10, $0x14;
	[tilespmem:v14+s16+$0x0] =	vst.idx.add.s32.msk $0xffff, v2  }
.Ltmp1:
0x4e: {  	v14 =	vor.u32 $0x80000000, v12;
	v12 =	vor.u32 v1, v8;
	v11 =	vxor.u32 v17, v11;
	[tilespmem:v18+s16+$0x0] =	vst.idx.add.s32.msk $0xffff, v2;
	(pc) =	sbr.rel @p0 .LBB2_4-.Ltmp1, $4  }
0x4f: {  	v8 =	vxor.u32 v13, v14;
	v13 =	vshra.s32 v6, $0x1F;
	v11 =	vshrl.u32 v11, $0x14;
	[tilespmem:v20+s16+$0x0] =	vst.idx.add.s32.msk $0xffff, v2  }
0x50: {  	v18 =	vshra.s32 v5, $0x1F;
	v15 =	vor.u32 $0x80000000, v13;
	v14 =	vand.u32 $0xFF0, v11;
	[tilespmem:v21+s16+$0x0] =	vst.idx.add.s32.msk $0xffff, v2  }
0x51: {  	v17 =	vshra.s32 v7, $0x1F;
	v13 =	vshra.s32 v9, $0x1F;
	[tilespmem:v4+s16+$0x0] =	vst.idx.add.s32.msk $0xffff, v2;
	v4 =	vor.u32 v1, v14  }
0x52: {  	s20 =	simm.s32 $0x0;
	s9 =	sadd.s32 $0x80, s9;
	v14 =	vor.u32 $0x80000000, v18;
	v16 =	vor.u32 $0x80000000, v13;
	v13 =	vand.u32 $0xFF0, v10;
	[tilespmem:v19+s16+$0x0] =	vst.idx.add.s32.msk $0xffff, v2  }
0x53: {  	_ =	sdelay $0x3  }
0x54: {  	[tilespmem:v12+s16+$0x0] =	vst.idx.add.s32.msk $0xffff, v2  }
0x55: {  	v17 =	vor.u32 $0x80000000, v17;
	[tilespmem:s17+$0xFFFFFFE0] =	vst v10  }
0x56: {  	v18 =	vshra.s32 v3, $0x1F;
	v6 =	vxor.u32 v6, v15;
	[tilespmem:s17+$0xFFFFFFC0] =	vst v11;
	v8 =	vshrl.u32 v8, $0x14  }
0x57: {  	v9 =	vxor.u32 v9, v16;
	v5 =	vxor.u32 v5, v14;
	v56 =	vor.u32 v1, v13;
	s0 =	simm.s32 $0x18000;
	[tilespmem:s17+$0x10] =	vst v8  }
0x58: {  	v7 =	vxor.u32 v7, v17;
	v55 =	vor.u32 $0x80000000, v18;
	v9 =	vshrl.u32 v9, $0x14;
	[tilespmem:v4+s0+$0x0] =	vst.idx.add.s32.msk $0xffff, v2  }
0x59: {  	v5 =	vshrl.u32 v5, $0x14;
	v6 =	vshrl.u32 v6, $0x14;
	v59 =	vand.u32 $0xFF0, v8;
	[tilespmem:s17+$0xFFFFFFD0] =	vst v9  }
0x5a: {  	v7 =	vshrl.u32 v7, $0x14;
	v57 =	vand.u32 $0xFF0, v5;
	[tilespmem:s17+$0xFFFFFFF0] =	vst v5;
	v10 =	vor.u32 v1, v59  }
0x5b: {  	v3 =	vxor.u32 v3, v55;
	[tilespmem:s17+$0x30] =	vst v6;
	v9 =	vand.u32 $0xFF0, v9;
	v58 =	vor.u32 v1, v57  }
0x5c: {  	v6 =	vand.u32 $0xFF0, v6;
	[tilespmem:s17+$0x0] =	vst v7;
	v3 =	vshrl.u32 v3, $0x14;
	v60 =	vor.u32 v1, v9  }
0x5d: {  	v7 =	vand.u32 $0xFF0, v7;
	v61 =	vor.u32 v1, v6;
	[tilespmem:s17+$0x20] =	vst v3  }
0x5e: {  	v7 =	vor.u32 v1, v7;
	v3 =	vand.u32 $0xFF0, v3;
	[tilespmem:v56+s0+$0x0] =	vst.idx.add.s32.msk $0xffff, v2  }
0x5f: {  	v3 =	vor.u32 v1, v3;
	[tilespmem:v10+s0+$0x0] =	vst.idx.add.s32.msk $0xffff, v2  }
0x60: {  	[tilespmem:v58+s0+$0x0] =	vst.idx.add.s32.msk $0xffff, v2  }
0x61: {  	[tilespmem:v60+s0+$0x0] =	vst.idx.add.s32.msk $0xffff, v2  }
0x62: {  	[tilespmem:v61+s0+$0x0] =	vst.idx.add.s32.msk $0xffff, v2  }
0x63: {  	[tilespmem:v7+s0+$0x0] =	vst.idx.add.s32.msk $0xffff, v2  }
0x64: {  	[tilespmem:v3+s0+$0x0] =	vst.idx.add.s32.msk $0xffff, v2  }
0x65: {  	v3 =	vld [tilespmem:s0+$0x0];
	_ =	sdelay $0x4  }
0x66: {  	(xrf0) =	vadd.scan.msk.s32 $0xffff, v3;
	_ =	sdelay $0x5  }
0x67: {  	v3, _, _ =	vpop (xrf0)  }
0x68: {  	(v2sf) =	vpush v3, $0xF;
	_ =	sdelay $0x1  }
0x69: {  	s30 =	simm.s32 $0x18010  }
0x6a: {  	v3 =	vld [tilespmem:s30+$0x0];
	_ =	sdelay $0x2  }
0x6b: {  	s31 =	simm.s32 $0x18020  }
0x6c: {  	v4 =	vld [tilespmem:s31+$0x0]  }
0x6d: {  	(xrf0) =	vadd.scan.msk.s32 $0xffff, v3;
	_ =	sdelay $0x3  }
0x6e: {  	(xrf0) =	vadd.scan.msk.s32 $0xffff, v4;
	_ =	sdelay $0x1  }
0x6f: {  	v62, _, _ =	vpop (xrf0)  }
0x70: {  	s7 =	spop (v2sf);
	(v2sf) =	vpush v62, $0xF;
	_ =	sdelay $0x2  }
0x71: {  	s2 =	simm.s32 $0x18030;
	v63, _, _ =	vpop (xrf0)  }
0x72: {  	s1 =	simm.s32 $0x1;
	s24 =	simm.s32 $0x3;
	s22 =	simm.s32 $0x4;
	v3 =	vld [tilespmem:s2+$0x0];
	(v2sf) =	vpush v63, $0xF  }
0x73: {  	p0 =	por $0x1, $0x1;
	s8 =	simm.s32 $0x5;
	s14 =	simm.s32 $0x18040  }
0x74: {  	s9 =	simm.s32 $0x0;
	s21 =	simm.s32 $0x0;
	s16 =	simm.s32 $0x0  }
0x75: {  	s23 =	simm.s32 $0x0;
	s19 =	simm.s32 $0x0;
	s2 =	sadd.s32 $0x0, s7  }
0x76: {  	s18 =	simm.s32 $0xFFFFFFFF;
	p1 =	sgt.s32 s2, $0x6667;
	p2 =	sgt.s32 s2, $0x1998  }
0x77: {  	s17 =	simm.s32 $0xFFFFFFFF;
	(xrf0) =	vadd.scan.msk.s32 $0xffff, v3;
	p1 =	por !p0, !p1;
	p2 =	por !p0, !p2  }
0x78: {  	s0 =	simm.s32 $0x2;
	p0 =	por !p1, !p1;
	p1 =	por !p2, !p2  }
.LBB2_6:
0x79: {  	p2 =	sne.s32 s8, $0xFF;
	s17 =	smov.u32 @p0 s9;
	s21 =	smov.u32 @p1 s7  }
0x7a: {  	v3 =	vld [tilespmem:s14+$0x0];
	s25 =	smov.u32 s24;
	s24 =	smov.u32 s22;
	s22 =	smov.u32 s8  }
0x7b: {  	s8 =	sadd.s32 $0x1, s8;
	s16 =	smov.u32 @p0 s7;
	s23 =	smov.u32 @p1 s2  }
0x7c: {  	s19 =	smov.u32 @p0 s2;
	s18 =	smov.u32 @p1 s9;
	s9 =	smov.u32 s1  }
.Ltmp2:
0x7d: {  	s1 =	smov.u32 s0;
	v4, _, _ =	vpop (xrf0);
	s7 =	spop (v2sf);
	(pc) =	sbr.rel @p2 .LBB2_6-.Ltmp2, $4  }
0x7e: {  	p0 =	slt.s32 s17, $0x0;
	s0 =	smov.u32 s25;
	(v2sf) =	vpush v4, $0xF;
	s2 =	sadd.s32 s2, s7  }
0x7f: {  	p3 =	slt.s32 s18, $0x0;
	(xrf0) =	vadd.scan.msk.s32 $0xffff, v3;
	p1 =	sgt.s32 s2, $0x6667;
	p4 =	sgt.s32 s2, $0x1998  }
0x80: {  	p0 =	por !p0, !p1;
	p1 =	por !p3, !p4  }
0x81: {  	s14 =	sadd.s32 $0x10, s14;
	p0 =	por !p0, !p0;
	p1 =	por !p1, !p1  }
0x82: {  	v3 =	vld [tilespmem:s14+$0x0];
	_ =	sdelay $0x4  }
0x83: {  	v4, _, _ =	vpop (xrf0);
	(xrf0) =	vadd.scan.msk.s32 $0xffff, v3;
	_ =	sdelay $0x1  }
0x84: {  	(v2sf) =	vpush v4, $0xF;
	_ =	sdelay $0x3  }
0x85: {  	s8 =	spop (v2sf);
	s17 =	smov.u32 @p0 s9;
	s21 =	smov.u32 @p1 s7;
	v3, _, _ =	vpop (xrf0)  }
0x86: {  	s16 =	smov.u32 @p0 s7;
	s18 =	smov.u32 @p1 s9;
	s7 =	sadd.s32 s2, s8;
	(v2sf) =	vpush v3, $0xF  }
0x87: {  	s23 =	smov.u32 @p1 s2;
	p2 =	slt.s32 s17, $0x0;
	p3 =	sgt.s32 s7, $0x6667  }
0x88: {  	p4 =	slt.s32 s18, $0x0;
	p6 =	sgt.s32 s7, $0x1998;
	p2 =	por !p2, !p3  }
0x89: {  	s19 =	smov.u32 @p0 s2;
	p3 =	por !p4, !p6;
	p1 =	por !p2, !p2  }
0x8a: {  	p0 =	por !p3, !p3;
	s17 =	smov.u32 @p1 s1;
	s9 =	spop (v2sf)  }
0x8b: {  	s21 =	smov.u32 @p0 s8;
	s18 =	smov.u32 @p0 s1;
	s1 =	sadd.s32 s7, s9  }
0x8c: {  	s23 =	smov.u32 @p0 s7;
	p2 =	slt.s32 s17, $0x0;
	p3 =	sgt.s32 s1, $0x6667  }
0x8d: {  	p4 =	slt.s32 s18, $0x0;
	p5 =	sgt.s32 s1, $0x1998;
	p0 =	por !p2, !p3  }
0x8e: {  	s16 =	smov.u32 @p1 s8;
	p6 =	por !p4, !p5;
	p0 =	por !p0, !p0  }
0x8f: {  	s19 =	smov.u32 @p1 s7;
	p1 =	por !p6, !p6;
	s17 =	smov.u32 @p0 s0  }
0x90: {  	s21 =	smov.u32 @p1 s9;
	s23 =	smov.u32 @p1 s1;
	s2 =	spop (v2sf)  }
0x91: {  	s18 =	smov.u32 @p1 s0;
	p2 =	slt.s32 s17, $0x0;
	s0 =	sadd.s32 s1, s2  }
0x92: {  	p4 =	slt.s32 s18, $0x0;
	p3 =	sgt.s32 s0, $0x6667;
	p5 =	sgt.s32 s0, $0x1998  }
0x93: {  	s16 =	smov.u32 @p0 s9;
	p1 =	por !p2, !p3;
	p6 =	por !p4, !p5  }
0x94: {  	s19 =	smov.u32 @p0 s1;
	p0 =	por !p1, !p1;
	p1 =	por !p6, !p6  }
0x95: {  	s17 =	smov.u32 @p0 s24;
	s21 =	smov.u32 @p1 s2;
	s1 =	spop (v2sf)  }
0x96: {  	s23 =	smov.u32 @p1 s0;
	s18 =	smov.u32 @p1 s24;
	s7 =	sadd.s32 s0, s1  }
0x97: {  	s16 =	smov.u32 @p0 s2;
	p2 =	slt.s32 s17, $0x0;
	p3 =	sgt.s32 s7, $0x6667  }
0x98: {  	p4 =	slt.s32 s18, $0x0;
	p5 =	sgt.s32 s7, $0x1998;
	p1 =	por !p2, !p3  }
0x99: {  	s19 =	smov.u32 @p0 s0;
	p6 =	por !p4, !p5;
	p1 =	por !p1, !p1  }
0x9a: {  	p0 =	por $0x1, $0x1;
	p2 =	por !p6, !p6;
	s17 =	smov.u32 @p1 s22  }
0x9b: {  	s21 =	smov.u32 @p2 s1;
	s16 =	smov.u32 @p1 s1;
	s23 =	smov.u32 @p2 s7  }
0x9c: {  	s19 =	smov.u32 @p1 s7;
	s18 =	smov.u32 @p2 s22;
	p1 =	por $0x1, $0x1  }
.LBB2_8:
0x9d: {  	s0 =	sshra.s32 s20, $0x2  }
0x9e: {  	[tilespmem:s0+$0x18000] =	vst v0  }
0x9f: {  	[tilespmem:s0+$0x18010] =	vst v0  }
0xa0: {  	p2 =	por p1, p1;
	[tilespmem:s0+$0x18020] =	vst v0  }
.Ltmp3:
0xa1: {  	[tilespmem:s0+$0x18030] =	vst v0;
	(pc) =	sbr.rel @p2 .LBB2_8-.Ltmp3, $4  }
0xa2: {  	[tilespmem:s0+$0x18040] =	vst v0  }
0xa3: {  	[tilespmem:s0+$0x18050] =	vst v0  }
0xa4: {  	[tilespmem:s0+$0x18060] =	vst v0  }
0xa5: {  	s20 =	simm.s32 $0x200;
	p1 =	por $0x0, $0x0;
	[tilespmem:s0+$0x18070] =	vst v0;
	s0 =	simm.s32 $0x0  }
.LBB2_9:
0xa6: {  	s0 =	sshra.s32 s0, $0x2  }
0xa7: {  	[tilespmem:s0+$0x19000] =	vst v0  }
0xa8: {  	[tilespmem:s0+$0x19010] =	vst v0  }
0xa9: {  	p1 =	por p0, p0;
	[tilespmem:s0+$0x19020] =	vst v0  }
.Ltmp4:
0xaa: {  	[tilespmem:s0+$0x19030] =	vst v0;
	(pc) =	sbr.rel @p1 .LBB2_9-.Ltmp4, $4  }
0xab: {  	[tilespmem:s0+$0x19040] =	vst v0  }
0xac: {  	[tilespmem:s0+$0x19050] =	vst v0  }
0xad: {  	[tilespmem:s0+$0x19060] =	vst v0  }
0xae: {  	p0 =	por $0x0, $0x0;
	[tilespmem:s0+$0x19070] =	vst v0;
	s0 =	simm.s32 $0x200  }
0xaf: {  	s0 =	simm.s32 $0x10040  }
0xb0: {  	v5 =	vld [tilespmem:s0+$0x30]  }
0xb1: {  	v6 =	vld [tilespmem:s0+$0xFFFFFFD0]  }
0xb2: {  	v7 =	vld [tilespmem:s0+$0xFFFFFFE0]  }
0xb3: {  	v8 =	vld [tilespmem:s0+$0xFFFFFFF0]  }
0xb4: {  	v9 =	vld [tilespmem:s0+$0x0]  }
0xb5: {  	v12 =	vld [tilespmem:s0+$0xFFFFFFC0]  }
0xb6: {  	v13 =	vld [tilespmem:s0+$0x10]  }
0xb7: {  	v3 =	vmov s17;
	v4 =	vmov s18  }
0xb8: {  	v10 =	vshra.s32 v5, $0x4;
	v5 =	vshll.u32 v5, $0x4;
	v11 =	vshll.u32 v6, $0x4  }
0xb9: {  	v14 =	vshll.u32 v7, $0x4;
	v6 =	vshra.s32 v6, $0x4;
	v15 =	vshll.u32 v8, $0x4  }
0xba: {  	v7 =	vshra.s32 v7, $0x4;
	v16 =	vshll.u32 v9, $0x4;
	v17 =	vshra.s32 v8, $0x4  }
0xbb: {  	v61 =	vshra.s32 v12, $0x4;
	v12 =	vshll.u32 v12, $0x4;
	v18 =	vshll.u32 v13, $0x4  }
0xbc: {  	v5 =	vor.u32 v1, v5;
	vm0 =	veq.s32 v10, v3;
	vm1 =	veq.s32 v10, v4  }
0xbd: {  	v12 =	vor.u32 v1, v12;
	vm2 =	veq.s32 v61, v3;
	v5 =	vand.u32 $0xFF, v5  }
0xbe: {  	v11 =	vor.u32 v1, v11;
	vm10 =	veq.s32 v6, v3;
	v12 =	vand.u32 $0xFF, v12  }
0xbf: {  	v10 =	vld [tilespmem:s0+$0x20];
	v14 =	vor.u32 v1, v14;
	v8 =	vor.u32 v1, v15;
	v11 =	vand.u32 $0xFF, v11  }
0xc0: {  	vm3 =	veq.s32 v61, v4;
	v62 =	vor.u32 v1, v16;
	vm11 =	veq.s32 v6, v4  }
0xc1: {  	v6 =	vor.u32 v1, v18;
	vm8 =	veq.s32 v7, v3;
	vm9 =	veq.s32 v7, v4  }
0xc2: {  	v19 =	vshra.s32 v9, $0x4;
	vm6 =	veq.s32 v17, v3;
	vm7 =	veq.s32 v17, v4;
	[tilespmem:v5+s11+$0x0] =	vst.idx.add.s32.msk vm0, v2  }
0xc3: {  	v13 =	vshra.s32 v13, $0x4;
	vm4 =	veq.s32 v19, v3;
	vm5 =	veq.s32 v19, v4;
	[tilespmem:v12+s11+$0x0] =	vst.idx.add.s32.msk vm2, v2  }
0xc4: {  	v8 =	vand.u32 $0xFF, v8;
	v7 =	vand.u32 $0xFF, v62;
	v9 =	vshll.u32 v10, $0x4;
	[tilespmem:v11+s11+$0x0] =	vst.idx.add.s32.msk vm10, v2  }
0xc5: {  	v6 =	vand.u32 $0xFF, v6;
	v10 =	vshra.s32 v10, $0x4;
	v63 =	vor.u32 v1, v9;
	[tilespmem:v5+s12+$0x0] =	vst.idx.add.s32.msk vm1, v2  }
0xc6: {  	v9 =	vand.u32 $0xFF, v14;
	vm2 =	veq.s32 v13, v3;
	vm0 =	veq.s32 v10, v3;
	[tilespmem:v12+s12+$0x0] =	vst.idx.add.s32.msk vm3, v2  }
0xc7: {  	s1 =	simm.s32 $0x100C0;
	s0 =	simm.s32 $0x0;
	vm3 =	veq.s32 v13, v4;
	v5 =	vand.u32 $0xFF, v63;
	vm1 =	veq.s32 v10, v4;
	[tilespmem:v11+s12+$0x0] =	vst.idx.add.s32.msk vm11, v2  }
.LBB2_11:
0xc8: {  	v10 =	vld [tilespmem:s1+$0x30]  }
0xc9: {  	s0 =	sadd.s32 $0x8, s0;
	v11 =	vld [tilespmem:s1+$0xFFFFFFD0]  }
0xca: {  	p0 =	slt.u32 s0, $0x7F8;
	v12 =	vld [tilespmem:s1+$0xFFFFFFE0]  }
0xcb: {  	v13 =	vld [tilespmem:s1+$0xFFFFFFF0]  }
0xcc: {  	v14 =	vld [tilespmem:s1+$0x0]  }
0xcd: {  	v15 =	vld [tilespmem:s1+$0x10];
	v16 =	vshra.s32 v10, $0x4;
	v10 =	vshll.u32 v10, $0x4  }
0xce: {  	v17 =	vshll.u32 v11, $0x4;
	v18 =	vld [tilespmem:s1+$0x20];
	v10 =	vor.u32 v1, v10;
	vm10 =	veq.s32 v16, v3  }
0xcf: {  	vm11 =	veq.s32 v16, v4;
	v19 =	vld [tilespmem:s1+$0xFFFFFFC0];
	v20 =	vshll.u32 v12, $0x4;
	v10 =	vand.u32 $0xFF, v10  }
0xd0: {  	v11 =	vshra.s32 v11, $0x4;
	v16 =	vor.u32 v1, v17;
	v17 =	vshll.u32 v13, $0x4;
	[tilespmem:v9+s11+$0x0] =	vst.idx.add.s32.msk vm8, v2  }
0xd1: {  	v12 =	vshra.s32 v12, $0x4;
	v20 =	vor.u32 v1, v20;
	v21 =	vshll.u32 v14, $0x4;
	[tilespmem:v9+s12+$0x0] =	vst.idx.add.s32.msk vm9, v2  }
0xd2: {  	v13 =	vshra.s32 v13, $0x4;
	v17 =	vor.u32 v1, v17;
	v9 =	vshll.u32 v15, $0x4;
	[tilespmem:v8+s11+$0x0] =	vst.idx.add.s32.msk vm6, v2  }
0xd3: {  	v14 =	vshra.s32 v14, $0x4;
	v21 =	vor.u32 v1, v21;
	v22 =	vshll.u32 v18, $0x4;
	[tilespmem:v8+s12+$0x0] =	vst.idx.add.s32.msk vm7, v2  }
0xd4: {  	v15 =	vshra.s32 v15, $0x4;
	v8 =	vshra.s32 v19, $0x4;
	v19 =	vshll.u32 v19, $0x4;
	[tilespmem:v10+s11+$0x0] =	vst.idx.add.s32.msk vm10, v2  }
0xd5: {  	v23 =	vor.u32 v1, v9;
	v18 =	vshra.s32 v18, $0x4;
	v19 =	vor.u32 v1, v19;
	[tilespmem:v10+s12+$0x0] =	vst.idx.add.s32.msk vm11, v2  }
0xd6: {  	vm10 =	veq.s32 v8, v3;
	v10 =	vand.u32 $0xFF, v19;
	v19 =	vor.u32 v1, v22;
	[tilespmem:v7+s11+$0x0] =	vst.idx.add.s32.msk vm4, v2  }
0xd7: {  	vm12 =	veq.s32 v11, v3;
	v16 =	vand.u32 $0xFF, v16;
	vm11 =	veq.s32 v8, v4;
	[tilespmem:v7+s12+$0x0] =	vst.idx.add.s32.msk vm5, v2  }
0xd8: {  	vm13 =	veq.s32 v11, v4;
	vm8 =	veq.s32 v12, v3;
	v9 =	vand.u32 $0xFF, v20;
	[tilespmem:v6+s11+$0x0] =	vst.idx.add.s32.msk vm2, v2  }
0xd9: {  	vm9 =	veq.s32 v12, v4;
	vm6 =	veq.s32 v13, v3;
	v8 =	vand.u32 $0xFF, v17;
	[tilespmem:v6+s12+$0x0] =	vst.idx.add.s32.msk vm3, v2  }
0xda: {  	vm7 =	veq.s32 v13, v4;
	vm4 =	veq.s32 v14, v3;
	v7 =	vand.u32 $0xFF, v21;
	[tilespmem:v5+s11+$0x0] =	vst.idx.add.s32.msk vm0, v2  }
.Ltmp5:
0xdb: {  	vm5 =	veq.s32 v14, v4;
	vm2 =	veq.s32 v15, v3;
	v6 =	vand.u32 $0xFF, v23;
	[tilespmem:v5+s12+$0x0] =	vst.idx.add.s32.msk vm1, v2;
	(pc) =	sbr.rel @p0 .LBB2_11-.Ltmp5, $4  }
0xdc: {  	vm3 =	veq.s32 v15, v4;
	vm0 =	veq.s32 v18, v3;
	v5 =	vand.u32 $0xFF, v19;
	[tilespmem:v10+s11+$0x0] =	vst.idx.add.s32.msk vm10, v2  }
0xdd: {  	vm1 =	veq.s32 v18, v4;
	[tilespmem:v10+s12+$0x0] =	vst.idx.add.s32.msk vm11, v2  }
0xde: {  	[tilespmem:v16+s11+$0x0] =	vst.idx.add.s32.msk vm12, v2  }
0xdf: {  	s1 =	sadd.s32 $0x80, s1;
	[tilespmem:v16+s12+$0x0] =	vst.idx.add.s32.msk vm13, v2  }
0xe0: {  	_ =	sdelay $0x4  }
0xe1: {  	[tilespmem:v9+s11+$0x0] =	vst.idx.add.s32.msk vm8, v2  }
0xe2: {  	[tilespmem:v8+s11+$0x0] =	vst.idx.add.s32.msk vm6, v2  }
0xe3: {  	[tilespmem:v7+s11+$0x0] =	vst.idx.add.s32.msk vm4, v2  }
0xe4: {  	[tilespmem:v6+s11+$0x0] =	vst.idx.add.s32.msk vm2, v2  }
0xe5: {  	[tilespmem:v5+s11+$0x0] =	vst.idx.add.s32.msk vm0, v2  }
0xe6: {  	[tilespmem:v9+s12+$0x0] =	vst.idx.add.s32.msk vm9, v2  }
0xe7: {  	[tilespmem:v8+s12+$0x0] =	vst.idx.add.s32.msk vm7, v2  }
0xe8: {  	[tilespmem:v7+s12+$0x0] =	vst.idx.add.s32.msk vm5, v2  }
0xe9: {  	[tilespmem:v6+s12+$0x0] =	vst.idx.add.s32.msk vm3, v2  }
0xea: {  	s0 =	simm.s32 $0x18000;
	[tilespmem:v5+s12+$0x0] =	vst.idx.add.s32.msk vm1, v2  }
0xeb: {  	v3 =	vld [tilespmem:s0+$0x0];
	_ =	sdelay $0x4  }
0xec: {  	(xrf0) =	vadd.scan.msk.s32 $0xffff, v3;
	_ =	sdelay $0x5  }
0xed: {  	v3, _, _ =	vpop (xrf0)  }
0xee: {  	(v2sf) =	vpush v3, $0xF;
	_ =	sdelay $0x1  }
0xef: {  	s30 =	simm.s32 $0x18010  }
0xf0: {  	v3 =	vld [tilespmem:s30+$0x0];
	_ =	sdelay $0x2  }
0xf1: {  	s31 =	simm.s32 $0x18020  }
0xf2: {  	v4 =	vld [tilespmem:s31+$0x0]  }
0xf3: {  	(xrf0) =	vadd.scan.msk.s32 $0xffff, v3;
	_ =	sdelay $0x3  }
0xf4: {  	(xrf0) =	vadd.scan.msk.s32 $0xffff, v4;
	_ =	sdelay $0x1  }
0xf5: {  	v3, _, _ =	vpop (xrf0)  }
0xf6: {  	s8 =	spop (v2sf);
	(v2sf) =	vpush v3, $0xF;
	_ =	sdelay $0x2  }
0xf7: {  	v4, _, _ =	vpop (xrf0)  }
0xf8: {  	s19 =	sadd.s32 $0xFFFF9999, s19;
	(v2sf) =	vpush v4, $0xF  }
0xf9: {  	s26 =	simm.s32 $0xFFFFFFFF;
	s20 =	simm.s32 $0x0;
	s25 =	simm.s32 $0x18030  }
0xfa: {  	s9 =	simm.s32 $0x1;
	s0 =	ssub.s32 s16, s19;
	v3 =	vld [tilespmem:s25+$0x0];
	s2 =	sadd.s32 $0x0, s8  }
0xfb: {  	s7 =	simm.s32 $0x2;
	p0 =	por $0x1, $0x1;
	p1 =	sgt.s32 s2, s0  }
0xfc: {  	s1 =	simm.s32 $0x3;
	s24 =	simm.s32 $0x4;
	p0 =	por !p0, !p1  }
0xfd: {  	s14 =	simm.s32 $0x0;
	s22 =	simm.s32 $0x0;
	p0 =	por !p0, !p0  }
.LBB2_13:
0xfe: {  	p1 =	sne.s32 s24, $0xF;
	s26 =	smov.u32 @p0 s14;
	s20 =	smov.u32 @p0 s2  }
0xff: {  	(xrf0) =	vadd.scan.msk.s32 $0xffff, v3;
	s14 =	smov.u32 s9;
	s9 =	smov.u32 s7;
	s7 =	smov.u32 s1  }
0x100: {  	s22 =	smov.u32 @p0 s8;
	s1 =	smov.u32 s24;
	s24 =	sadd.s32 $0x1, s24  }
0x101: {  	_ = 	snop  }
0x102: {  	s25 =	sadd.s32 $0x10, s25  }
.Ltmp6:
0x103: {  	v3 =	vld [tilespmem:s25+$0x0];
	s8 =	spop (v2sf);
	(pc) =	sbr.rel @p1 .LBB2_13-.Ltmp6, $4  }
0x104: {  	s2 =	sadd.s32 s2, s8  }
0x105: {  	p0 =	slt.s32 s26, $0x0;
	v4, _, _ =	vpop (xrf0);
	p2 =	sgt.s32 s2, s0  }
0x106: {  	(v2sf) =	vpush v4, $0xF;
	p0 =	por !p0, !p2  }
0x107: {  	p0 =	por !p0, !p0  }
0x108: {  	s24 =	simm.s32 $0x19000  }
0x109: {  	(xrf0) =	vadd.scan.msk.s32 $0xffff, v3;
	v3 =	vld [tilespmem:s24+$0x0];
	_ =	sdelay $0x4  }
0x10a: {  	(xrf0) =	vadd.scan.msk.s32 $0xffff, v3;
	_ =	sdelay $0x4  }
0x10b: {  	v4, _, _ =	vpop (xrf0)  }
0x10c: {  	(v2sf) =	vpush v4, $0xF;
	v3, _, _ =	vpop (xrf0)  }
0x10d: {  	s24 =	spop (v2sf);
	(v2sf) =	vpush v3, $0xF;
	_ =	sdelay $0x1  }
0x10e: {  	s28 =	simm.s32 $0x19010  }
0x10f: {  	v3 =	vld [tilespmem:s28+$0x0];
	_ =	sdelay $0x2  }
0x110: {  	s28 =	simm.s32 $0x19020  }
0x111: {  	v4 =	vld [tilespmem:s28+$0x0]  }
0x112: {  	s26 =	smov.u32 @p0 s14;
	s14 =	sadd.s32 s2, s24;
	(xrf0) =	vadd.scan.msk.s32 $0xffff, v3  }
0x113: {  	p1 =	slt.s32 s26, $0x0;
	p2 =	sgt.s32 s14, s0  }
0x114: {  	p1 =	por !p1, !p2  }
0x115: {  	p1 =	por !p1, !p1;
	s25 =	spop (v2sf)  }
0x116: {  	s20 =	smov.u32 @p0 s2;
	s26 =	smov.u32 @p1 s9;
	s9 =	sadd.s32 s14, s25;
	(xrf0) =	vadd.scan.msk.s32 $0xffff, v4  }
0x117: {  	s22 =	smov.u32 @p0 s8;
	p5 =	slt.s32 s26, $0x0;
	p3 =	sgt.s32 s9, s0  }
0x118: {  	s21 =	ssub.s32 s23, s21;
	p2 =	por !p5, !p3;
	s28 =	spop (v2sf);
	v3, _, _ =	vpop (xrf0)  }
0x119: {  	s23 =	simm.s32 $0x0;
	p2 =	por !p2, !p2;
	s29 =	spop (v2sf);
	(v2sf) =	vpush v3, $0xF  }
0x11a: {  	s8 =	simm.s32 $0x3;
	s26 =	smov.u32 @p2 s7;
	s7 =	sadd.s32 s9, s28  }
0x11b: {  	s2 =	simm.s32 $0xFFFFFFFF;
	p6 =	slt.s32 s26, $0x0;
	p4 =	sgt.s32 s7, s0  }
0x11c: {  	s20 =	smov.u32 @p1 s14;
	s22 =	smov.u32 @p1 s24;
	p4 =	por !p6, !p4;
	v4, _, _ =	vpop (xrf0)  }
0x11d: {  	s20 =	smov.u32 @p2 s9;
	s22 =	smov.u32 @p2 s25;
	p0 =	por !p4, !p4;
	(v2sf) =	vpush v4, $0xF  }
0x11e: {  	s26 =	smov.u32 @p0 s1;
	s20 =	smov.u32 @p0 s7;
	s1 =	simm.s32 $0x19030  }
0x11f: {  	s22 =	smov.u32 @p0 s28;
	s7 =	ssub.s32 $0x1998, s21;
	v3 =	vld [tilespmem:s1+$0x0];
	s28 =	sadd.s32 $0x0, s29  }
0x120: {  	s24 =	simm.s32 $0x0;
	p5 =	por $0x1, $0x1;
	p6 =	sgt.s32 s28, s7  }
0x121: {  	s14 =	simm.s32 $0x2;
	s25 =	simm.s32 $0x0;
	p0 =	por !p5, !p6  }
0x122: {  	s9 =	simm.s32 $0x1;
	s0 =	simm.s32 $0x4;
	p0 =	por !p0, !p0  }
.LBB2_15:
0x123: {  	p1 =	sne.s32 s0, $0xF;
	s2 =	smov.u32 @p0 s25;
	s23 =	smov.u32 @p0 s28  }
0x124: {  	(xrf0) =	vadd.scan.msk.s32 $0xffff, v3;
	s25 =	smov.u32 s9;
	s9 =	smov.u32 s14;
	s14 =	smov.u32 s8  }
0x125: {  	s24 =	smov.u32 @p0 s29;
	s8 =	smov.u32 s0;
	s0 =	sadd.s32 $0x1, s0  }
0x126: {  	_ = 	snop  }
0x127: {  	s1 =	sadd.s32 $0x10, s1  }
.Ltmp7:
0x128: {  	v3 =	vld [tilespmem:s1+$0x0];
	s29 =	spop (v2sf);
	(pc) =	sbr.rel @p1 .LBB2_15-.Ltmp7, $4  }
0x129: {  	s28 =	sadd.s32 s28, s29  }
0x12a: {  	p0 =	slt.s32 s2, $0x0;
	v4, _, _ =	vpop (xrf0);
	p2 =	sgt.s32 s28, s7  }
0x12b: {  	(v2sf) =	vpush v4, $0xF;
	p0 =	por !p0, !p2  }
0x12c: {  	p0 =	por !p0, !p0  }
0x12d: {  	(xrf0) =	vadd.scan.msk.s32 $0xffff, v3;
	_ =	sdelay $0x5  }
0x12e: {  	v3, _, _ =	vpop (xrf0)  }
0x12f: {  	(v2sf) =	vpush v3, $0xF;
	_ =	sdelay $0xc  }
0x130: {  	s0 =	spop (v2sf)  }
0x131: {  	s2 =	smov.u32 @p0 s25;
	s1 =	sadd.s32 s28, s0;
	s31 =	spop (v2sf)  }
0x132: {  	p1 =	slt.s32 s2, $0x0;
	p2 =	sgt.s32 s1, s7;
	s30 =	spop (v2sf)  }
0x133: {  	p1 =	por !p1, !p2;
	_ =	swait.ge [sflag:s13], $0x8000  }
0x134: {  	s3 =	simm.s32 $0x10040;
	p1 =	por !p1, !p1;
	[sflag:s13] =	ssyncset.done $0x0  }
0x135: {  	s2 =	smov.u32 @p1 s9;
	s9 =	sadd.s32 s1, s31;
	[sflag:s13] =	ssyncadd.s32 $0xFFFF8000  }
0x136: {  	p5 =	slt.s32 s2, $0x0;
	p3 =	sgt.s32 s9, s7;
	v8 =	vld [tilespmem:s3+$0x30]  }
0x137: {  	p2 =	por !p5, !p3;
	v14 =	vld [tilespmem:s3+$0x20]  }
0x138: {  	p2 =	por !p2, !p2;
	v17 =	vld [tilespmem:s3+$0x10]  }
0x139: {  	s25 =	simm.s32 $0x8040;
	s2 =	smov.u32 @p2 s14;
	s14 =	sadd.s32 s9, s30;
	v15 =	vld [tilespmem:s3+$0x0]  }
0x13a: {  	p4 =	slt.s32 s2, $0x0;
	p6 =	sgt.s32 s14, s7;
	v3 =	vld [tilespmem:s25+$0x30]  }
0x13b: {  	p3 =	por !p4, !p6;
	v16 =	vld [tilespmem:s3+$0xFFFFFFF0]  }
0x13c: {  	s17 =	sshll.u32 s17, $0x4;
	p3 =	por !p3, !p3;
	v18 =	vld [tilespmem:s3+$0xFFFFFFE0]  }
0x13d: {  	s7 =	sor.u32 s17, s26;
	s26 =	sshll.u32 s18, $0x4;
	v7 =	vld [tilespmem:s25+$0x10];
	s2 =	smov.u32 @p3 s8  }
0x13e: {  	v4 =	vmov s7;
	v6 =	vld [tilespmem:s25+$0x20];
	s2 =	sor.u32 s26, s2  }
0x13f: {  	v19 =	vimm.f32 $0.0e+00;
	v20 =	vld [tilespmem:s25+$0x0];
	v5 =	vmov s2;
	vm0 =	vgt.u32 v8, v4  }
0x140: {  	v21 =	vld [tilespmem:s3+$0xFFFFFFD0];
	vm1 =	veq.s32 v8, v4;
	vm4 =	vlt.u32 v8, v5;
	vm3 =	veq.s32 v8, v5  }
0x141: {  	v22 =	vld [tilespmem:s25+$0xFFFFFFE0];
	vm2 =	vgt.u32 v14, v4;
	vm5 =	vlt.u32 v14, v5;
	vm15 =	veq.s32 v17, v5  }
0x142: {  	v23 =	vld [tilespmem:s25+$0xFFFFFFF0];
	v8 =	vnsel vm0, $0x0, v3;
	vm0 =	vgt.u32 v17, v4;
	v9 =	vnsel vm1, $0x0, v3  }
0x143: {  	v24 =	vld [tilespmem:s25+$0xFFFFFFD0];
	vm1 =	veq.s32 v14, v4;
	v12 =	vnsel vm0, $0x0, v7;
	vm0 =	vgt.u32 v15, v4  }
0x144: {  	v25 =	vld [tilespmem:s3+$0xFFFFFFC0];
	v11 =	vnsel vm1, $0x0, v6;
	vm1 =	veq.s32 v15, v4;
	v26 =	vnsel vm0, $0x0, v20  }
0x145: {  	v28 =	vld [tilespmem:s25+$0xFFFFFFC0];
	vm0 =	veq.s32 v17, v4;
	v27 =	vnsel vm1, $0x0, v20;
	vm1 =	vgt.u32 v18, v4  }
0x146: {  	v13 =	vnsel vm0, $0x0, v7;
	vm0 =	vgt.u32 v16, v4;
	v29 =	vnsel vm1, $0x0, v22  }
0x147: {  	vm1 =	veq.s32 v16, v4;
	v30 =	vnsel vm0, $0x0, v23;
	vm0 =	vgt.u32 v21, v4  }
0x148: {  	v31 =	vnsel vm1, $0x0, v23;
	vm1 =	veq.s32 v21, v4;
	v32 =	vnsel vm0, $0x0, v24  }
0x149: {  	vm0 =	veq.s32 v18, v4;
	v33 =	vnsel vm1, $0x0, v24;
	vm1 =	vgt.u32 v25, v4  }
0x14a: {  	v34 =	vnsel vm0, $0x0, v22;
	vm0 =	veq.s32 v25, v4;
	v35 =	vnsel vm1, $0x0, v28  }
0x14b: {  	vm1 =	vlt.u32 v25, v5;
	v36 =	vnsel vm0, $0x0, v28;
	vm0 =	veq.s32 v25, v5  }
0x14c: {  	v58 =	vnsel vm1, $0x0, v28;
	vm1 =	vlt.u32 v21, v5;
	v28 =	vnsel vm0, $0x0, v28  }
0x14d: {  	vm0 =	veq.s32 v21, v5;
	v59 =	vnsel vm1, $0x0, v24;
	vm1 =	vlt.u32 v18, v5  }
0x14e: {  	v25 =	vadd.f32 v58, v19;
	v24 =	vnsel vm0, $0x0, v24;
	vm0 =	veq.s32 v18, v5  }
0x14f: {  	v18 =	vnsel vm1, $0x0, v22;
	vm1 =	veq.s32 v14, v5;
	v14 =	vadd.f32 v35, v19  }
0x150: {  	v60 =	vadd.f32 v36, v19;
	v19 =	vadd.f32 v28, v19;
	v22 =	vnsel vm0, $0x0, v22  }
0x151: {  	vm0 =	vlt.u32 v16, v5;
	v21 =	vadd.f32 v59, v25;
	v14 =	vadd.f32 v32, v14  }
0x152: {  	v61 =	vnsel vm0, $0x0, v23;
	vm0 =	veq.s32 v16, v5;
	v16 =	vadd.f32 v33, v60  }
0x153: {  	v19 =	vadd.f32 v24, v19;
	v23 =	vnsel vm0, $0x0, v23;
	vm0 =	vlt.u32 v15, v5  }
0x154: {  	v14 =	vadd.f32 v29, v14;
	v16 =	vadd.f32 v34, v16;
	v62 =	vnsel vm0, $0x0, v20  }
0x155: {  	vm0 =	veq.s32 v15, v5;
	v15 =	vadd.f32 v18, v21;
	v18 =	vadd.f32 v22, v19  }
0x156: {  	s23 =	smov.u32 @p0 s28;
	s24 =	smov.u32 @p0 s29;
	v10 =	vnsel vm2, $0x0, v6;
	v14 =	vadd.f32 v30, v14;
	v16 =	vadd.f32 v31, v16  }
0x157: {  	s23 =	smov.u32 @p1 s1;
	s24 =	smov.u32 @p1 s0;
	v19 =	vnsel vm0, $0x0, v20;
	v20 =	vadd.f32 v61, v15;
	v63 =	vadd.f32 v23, v18  }
0x158: {  	s23 =	smov.u32 @p2 s9;
	s24 =	smov.u32 @p2 s31;
	s17 =	simm.s32 $0x0;
	vm0 =	vlt.u32 v17, v5;
	v14 =	vadd.f32 v26, v14;
	v15 =	vadd.f32 v27, v16  }
0x159: {  	s18 =	simm.s32 $0x100C0;
	s23 =	smov.u32 @p3 s14;
	s24 =	smov.u32 @p3 s30;
	v16 =	vnsel vm0, $0x0, v7;
	v18 =	vadd.f32 v62, v20;
	v17 =	vadd.f32 v19, v63  }
.LBB2_17:
0x15a: {  	v19 =	vld [tilespmem:s18+$0x30];
	v12 =	vadd.f32 v12, v14;
	v13 =	vadd.f32 v13, v15;
	v7 =	vnsel vm15, $0x0, v7  }
0x15b: {  	v15 =	vnsel vm5, $0x0, v6;
	v14 =	vadd.f32 v16, v18;
	v7 =	vadd.f32 v7, v17  }
0x15c: {  	v6 =	vnsel vm1, $0x0, v6;
	v10 =	vadd.f32 v10, v12;
	v11 =	vadd.f32 v11, v13  }
0x15d: {  	v12 =	vld [tilespmem:s18+$0x10];
	v13 =	vadd.f32 v15, v14;
	v6 =	vadd.f32 v6, v7;
	v7 =	vnsel vm4, $0x0, v3  }
0x15e: {  	v14 =	vld [tilespmem:s18+$0x0];
	v15 =	vadd.f32 v8, v10;
	v17 =	vadd.f32 v9, v11;
	v8 =	vnsel vm3, $0x0, v3  }
0x15f: {  	v9 =	vimm.s32 $0x0;
	vm0 =	vgt.u32 v19, v4;
	v20 =	vadd.f32 v8, v6  }
0x160: {  	v10 =	vld [tilespmem:s18+$0xFFFFFFD0];
	v6 =	vimm.s32 $0x0;
	v9 =	vsel vm0, $0xFFFFFFFF, v9;
	vm0 =	veq.s32 v19, v4  }
0x161: {  	v18 =	vadd.f32 v7, v13;
	v8 =	vld [tilespmem:s18+$0xFFFFFFF0];
	v7 =	vimm.s32 $0x0;
	v6 =	vsel vm0, $0xFFFFFFFF, v6  }
0x162: {  	v16 =	vld [tilespmem:s18+$0x20];
	vm0 =	vlt.u32 v19, v5;
	vm5 =	vgt.u32 v12, v4;
	[tilespmem:$0x1FF00] =	vst v6;
	v6 =	vimm.s32 $0x0  }
0x163: {  	vm15 =	veq.s32 v12, v5;
	vm2 =	vlt.u32 v14, v5;
	v6 =	vsel vm0, $0xFFFFFFFF, v6  }
0x164: {  	vm0 =	veq.s32 v19, v5;
	v7 =	vsel vm2, $0xFFFFFFFF, v7;
	vm2 =	veq.s32 v14, v5;
	[tilespmem:$0x1FF70] =	vst v6  }
0x165: {  	vm10 =	vgt.u32 v10, v4;
	v6 =	vimm.s32 $0x0;
	[tilespmem:$0x1FFD0] =	vst v7;
	v7 =	vimm.s32 $0x0  }
0x166: {  	[tilespmem:$0x1FEF0] =	vst v9;
	v9 =	vld [tilespmem:s18+$0xFFFFFFE0];
	vm6 =	vgt.u32 v8, v4;
	vm7 =	veq.s32 v8, v4;
	v6 =	vsel vm0, $0xFFFFFFFF, v6  }
0x167: {  	vm0 =	vgt.u32 v16, v4;
	v7 =	vsel vm2, $0xFFFFFFFF, v7;
	[tilespmem:$0x1FF80] =	vst v6;
	v6 =	vimm.s32 $0x0  }
0x168: {  	vm2 =	vlt.u32 v8, v5;
	[tilespmem:$0x1FFE0] =	vst v7;
	v7 =	vimm.s32 $0x0;
	v6 =	vsel vm0, $0xFFFFFFFF, v6  }
0x169: {  	v7 =	vsel vm2, $0xFFFFFFFF, v7;
	vm2 =	veq.s32 v8, v5;
	v8 =	vimm.s32 $0x0  }
0x16a: {  	vm0 =	veq.s32 v16, v4;
	[tilespmem:$0x1FF20] =	vst v6;
	v6 =	vimm.s32 $0x0;
	v8 =	vsel vm2, $0xFFFFFFFF, v8  }
0x16b: {  	vm1 =	vlt.u32 v9, v5;
	v6 =	vsel vm0, $0xFFFFFFFF, v6;
	[tilespmem:$0x1FFC0] =	vst v8;
	v8 =	vimm.s32 $0x0  }
0x16c: {  	v11 =	vld [tilespmem:s18+$0xFFFFFFC0];
	vm0 =	vlt.u32 v16, v5;
	[tilespmem:$0x1FF30] =	vst v6;
	v6 =	vimm.s32 $0x0;
	v8 =	vsel vm1, $0xFFFFFFFF, v8  }
0x16d: {  	vm11 =	veq.s32 v10, v4;
	vm2 =	veq.s32 v9, v5;
	v6 =	vsel vm0, $0xFFFFFFFF, v6;
	[tilespmem:$0x1FF90] =	vst v8  }
0x16e: {  	s25 =	sadd.s32 $0x80, s25;
	vm0 =	veq.s32 v12, v4;
	v8 =	vimm.s32 $0x0;
	[tilespmem:$0x1FF10] =	vst v6;
	v6 =	vimm.s32 $0x0  }
0x16f: {  	vm3 =	vlt.u32 v10, v5;
	[tilespmem:$0x1FFB0] =	vst v7;
	v7 =	vld [tilespmem:s25+$0x10];
	v8 =	vsel vm2, $0xFFFFFFFF, v8;
	v6 =	vsel vm0, $0xFFFFFFFF, v6  }
0x170: {  	vm2 =	veq.s32 v10, v5;
	vm0 =	veq.s32 v16, v5;
	v10 =	vld [tilespmem:$0x1FF10];
	[tilespmem:$0x1FF60] =	vst v6;
	v6 =	vimm.s32 $0x0  }
0x171: {  	v3 =	vld [tilespmem:s25+$0x30];
	vm12 =	vgt.u32 v11, v4;
	vm9 =	vgt.u32 v9, v4;
	v6 =	vsel vm0, $0xFFFFFFFF, v6  }
0x172: {  	vm4 =	veq.s32 v9, v4;
	v9 =	vld [tilespmem:$0x1FF00];
	vm0 =	vgt.u32 v14, v4;
	[tilespmem:$0x1FF50] =	vst v6;
	v6 =	vimm.s32 $0x0  }
0x173: {  	vm13 =	veq.s32 v11, v4;
	vm8 =	vlt.u32 v11, v5;
	[tilespmem:$0x1FFA0] =	vst v8;
	v8 =	vld [tilespmem:$0x1FEF0];
	v6 =	vsel vm0, $0xFFFFFFFF, v6  }
0x174: {  	vm14 =	veq.s32 v11, v5;
	v11 =	vld [tilespmem:$0x1FF30];
	vm0 =	vlt.u32 v12, v5;
	[tilespmem:$0x1FF40] =	vst v6;
	v6 =	vimm.s32 $0x0  }
0x175: {  	v12 =	vnsel vm5, $0x0, v7;
	vm5 =	vnez.u8 v10;
	v10 =	vld [tilespmem:$0x1FF20];
	v6 =	vsel vm0, $0xFFFFFFFF, v6  }
0x176: {  	[tilespmem:$0x1FFF0] =	vst v6;
	v6 =	vld [tilespmem:s25+$0x20]  }
0x177: {  	v13 =	vld [tilespmem:$0x1FF40]  }
0x178: {  	vm1 =	vnez.u8 v8  }
0x179: {  	v8 =	vnsel vm1, $0x0, v3;
	vm1 =	vnez.u8 v9  }
0x17a: {  	v9 =	vnsel vm1, $0x0, v3;
	vm1 =	vnez.u8 v10  }
0x17b: {  	v16 =	vld [tilespmem:s25+$0x0];
	v10 =	vnsel vm1, $0x0, v6;
	vm1 =	vnez.u8 v11  }
0x17c: {  	v11 =	vnsel vm1, $0x0, v6;
	vm1 =	vnez.u8 v13;
	v13 =	vld [tilespmem:$0x1FF50];
	_ =	sdelay $0x1  }
0x17d: {  	v21 =	vld [tilespmem:s25+$0xFFFFFFD0]  }
0x17e: {  	v22 =	vld [tilespmem:s25+$0xFFFFFFC0]  }
0x17f: {  	v19 =	vld [tilespmem:s25+$0xFFFFFFE0]  }
0x180: {  	v23 =	vnsel vm1, $0x0, v16;
	vm1 =	vnez.u8 v13;
	v13 =	vld [tilespmem:$0x1FF60]  }
0x181: {  	v61 =	vld [tilespmem:$0x1FF90]  }
0x182: {  	v28 =	vnsel vm10, $0x0, v21;
	v29 =	vnsel vm11, $0x0, v21;
	v62 =	vld [tilespmem:$0x1FFA0]  }
0x183: {  	v58 =	vnsel vm12, $0x0, v22;
	v32 =	vnsel vm13, $0x0, v22;
	v33 =	vnsel vm8, $0x0, v22  }
0x184: {  	v22 =	vnsel vm14, $0x0, v22;
	v59 =	vnsel vm3, $0x0, v21;
	vm0 =	veq.s32 v14, v4  }
0x185: {  	v20 =	vadd.f32 v22, v20;
	v24 =	vnsel vm0, $0x0, v16;
	vm0 =	vnez.u8 v13  }
0x186: {  	v21 =	vnsel vm2, $0x0, v21;
	v13 =	vnsel vm0, $0x0, v7;
	vm0 =	vnez.u8 v61  }
0x187: {  	v20 =	vadd.f32 v21, v20;
	v21 =	vnsel vm0, $0x0, v19;
	vm0 =	vnez.u8 v62  }
0x188: {  	v25 =	vnsel vm9, $0x0, v19;
	v30 =	vnsel vm4, $0x0, v19;
	v63 =	vld [tilespmem:$0x1FFC0];
	v19 =	vnsel vm0, $0x0, v19  }
0x189: {  	v19 =	vadd.f32 v19, v20;
	v20 =	vld [tilespmem:$0x1FFB0]  }
0x18a: {  	v14 =	vld [tilespmem:s25+$0xFFFFFFF0];
	_ =	sdelay $0x1  }
0x18b: {  	v15 =	vadd.f32 v58, v15  }
0x18c: {  	v17 =	vadd.f32 v32, v17  }
0x18d: {  	v15 =	vadd.f32 v28, v15;
	vm0 =	vnez.u8 v20  }
0x18e: {  	v17 =	vadd.f32 v29, v17;
	v20 =	vnsel vm0, $0x0, v14;
	vm0 =	vnez.u8 v63  }
0x18f: {  	v26 =	vnsel vm6, $0x0, v14;
	v27 =	vnsel vm7, $0x0, v14;
	v14 =	vnsel vm0, $0x0, v14  }
0x190: {  	v19 =	vadd.f32 v14, v19;
	v14 =	vld [tilespmem:$0x1FFD0]  }
0x191: {  	v15 =	vadd.f32 v25, v15;
	v17 =	vadd.f32 v30, v17;
	_ =	sdelay $0x1  }
0x192: {  	v15 =	vadd.f32 v26, v15;
	v17 =	vadd.f32 v27, v17  }
0x193: {  	v18 =	vadd.f32 v33, v18  }
0x194: {  	vm0 =	vnez.u8 v14;
	v14 =	vadd.f32 v23, v15;
	v15 =	vadd.f32 v24, v17;
	v17 =	vld [tilespmem:$0x1FFE0]  }
0x195: {  	v18 =	vadd.f32 v59, v18;
	_ =	sdelay $0x1  }
0x196: {  	v18 =	vadd.f32 v21, v18;
	_ =	sdelay $0x1  }
0x197: {  	v18 =	vadd.f32 v20, v18;
	v20 =	vnsel vm0, $0x0, v16;
	vm0 =	vnez.u8 v17  }
0x198: {  	v31 =	vld [tilespmem:$0x1FF70];
	v16 =	vnsel vm0, $0x0, v16  }
0x199: {  	s17 =	sadd.s32 $0x8, s17;
	v17 =	vadd.f32 v16, v19;
	v16 =	vld [tilespmem:$0x1FFF0]  }
0x19a: {  	p0 =	slt.u32 s17, $0x7F8;
	v60 =	vld [tilespmem:$0x1FF80]  }
.Ltmp8:
0x19b: {  	_ = 	snop;
	(pc) =	sbr.rel @p0 .LBB2_17-.Ltmp8, $3  }
0x19c: {  	_ =	sdelay $0x1  }
0x19d: {  	vm4 =	vnez.u8 v31;
	vm0 =	vnez.u8 v16  }
0x19e: {  	s18 =	sadd.s32 $0x80, s18;
	vm3 =	vnez.u8 v60;
	v18 =	vadd.f32 v20, v18;
	v16 =	vnsel vm0, $0x0, v7  }
0x19f: {  	v4 =	vadd.f32 v12, v14  }
0x1a0: {  	v5 =	vadd.f32 v13, v15  }
0x1a1: {  	v7 =	vnsel vm15, $0x0, v7;
	v50 =	vadd.f32 v16, v18;
	v4 =	vadd.f32 v10, v4  }
0x1a2: {  	v51 =	vnsel vm5, $0x0, v6;
	v7 =	vadd.f32 v7, v17;
	v5 =	vadd.f32 v11, v5  }
0x1a3: {  	v52 =	vnsel vm1, $0x0, v6;
	v10 =	vadd.f32 v51, v50;
	v4 =	vadd.f32 v8, v4  }
0x1a4: {  	v53 =	vnsel vm4, $0x0, v3;
	v6 =	vadd.f32 v52, v7;
	v5 =	vadd.f32 v9, v5  }
0x1a5: {  	v3 =	vnsel vm3, $0x0, v3;
	v7 =	vadd.f32 v53, v10;
	(xrf2) =	vadd.scan.msk.f32 $0xffff, v4  }
0x1a6: {  	v3 =	vadd.f32 v3, v6;
	(xrf2) =	vadd.scan.msk.f32 $0xffff, v5  }
0x1a7: {  	(xrf2) =	vadd.scan.msk.f32 $0xffff, v7  }
0x1a8: {  	(xrf2) =	vadd.scan.msk.f32 $0xffff, v3;
	_ =	sdelay $0x6  }
0x1a9: {  	s0 =	scvt.s32.f32 s22;
	s1 =	scvt.s32.f32 s24;
	v3, _, _ =	vpop (xrf2)  }
0x1aa: {  	v54, _, _ =	vpop (xrf2)  }
0x1ab: {  	v55 =	vmov s0;
	v57 =	vmov s1;
	v56, _, _ =	vpop (xrf2)  }
0x1ac: {  	v5 =	vsub.s32 $0x7EF127EA, v55;
	v7 =	vsub.s32 $0x7EF127EA, v57;
	(v2sf) =	vpush v54, $0xF;
	v59, _, _ =	vpop (xrf2)  }
0x1ad: {  	v58 =	vmul.f32 s0, v5;
	v60 =	vmul.f32 s1, v7;
	(v2sf) =	vpush v59, $0xF;
	_ =	sdelay $0x1  }
0x1ae: {  	v4 =	vsub.f32 $2.000000000e+00, v58;
	v8 =	vsub.f32 $2.000000000e+00, v60;
	_ =	sdelay $0x1  }
0x1af: {  	v4 =	vmul.f32 v5, v4;
	v61 =	vmul.f32 v7, v8;
	_ =	sdelay $0x1  }
0x1b0: {  	v62 =	vmul.f32 s0, v4;
	v8 =	vmul.f32 s1, v61;
	_ =	sdelay $0x1  }
0x1b1: {  	v7 =	vsub.f32 $2.000000000e+00, v62;
	v8 =	vsub.f32 $2.000000000e+00, v8;
	_ =	sdelay $0x1  }
0x1b2: {  	v4 =	vmul.f32 v7, v4;
	v5 =	vmul.f32 v8, v61  }
0x1b3: {  	s2 =	ssub.s32 s19, s16;
	s3 =	sadd.s32 s23, s21  }
0x1b4: {  	s25 =	sadd.s32 s20, s2;
	s26 =	ssub.s32 s24, s3;
	v7 =	vmul.f32 s0, v4;
	v8 =	vmul.f32 s1, v5  }
0x1b5: {  	s28 =	sadd.s32 $0x1999, s26;
	s0 =	scvt.s32.f32 s25  }
0x1b6: {  	s1 =	scvt.s32.f32 s28;
	v7 =	vsub.f32 $2.000000000e+00, v7;
	v8 =	vsub.f32 $2.000000000e+00, v8;
	s29 =	spop (v2sf)  }
0x1b7: {  	s0 =	smul.f32 s0, s29;
	s30 =	spop (v2sf)  }
0x1b8: {  	v4 =	vmul.f32 v7, v4;
	v5 =	vmul.f32 v8, v5;
	s1 =	smul.f32 s1, s30  }
0x1b9: {  	v3 =	vbroadcast v3, $0xF;
	v6 =	vbroadcast v56, $0xF  }
0x1ba: {  	v4 =	vmul.f32 s0, v4;
	v5 =	vmul.f32 s1, v5;
	_ =	sdelay $0x1  }
0x1bb: {  	v3 =	vadd.f32 v4, v3;
	v63 =	vadd.f32 v5, v6;
	_ =	sdelay $0x1  }
0x1bc: {  	v3 =	vsub.f32 v3, v63;
	_ =	sdelay $0x1  }
0x1bd: {  	v3 =	vmul.f32 $-1.526018600e-04, v3;
	_ =	sdelay $0x1  }
0x1be: {  	v3 =	vadd.f32 $1.000000000e+00, v3  }
0x1bf: {  	s15 =	sadd.s32 $0x1, s15  }
0x1c0: {  	p0 =	sne.s32 s15, s6;
	v3 =	vmax.f32 v3, $0.0e+00  }
.Ltmp9:
0x1c1: {  	s8 =	simm.s32 $0x0;
	s31 =	simm.s32 $0x1A000;
	[tilespmem:$0x1A000] =	vst v3;
	(pc) =	sbr.rel @p0 .LBB2_1-.Ltmp9, $4  }
0x1c2: {  	[hbm4b:s5+s8] =	stream.linear.scatter [tilespmem:s31], [sflag:$0x2], $0x80, $0x38;
	[tilespmem:$0x1A080] =	vst v63  }
0x1c3: {  	_ =	swait.ge [sflag:s10], $0x80  }
0x1c4: {  	[sflag:s10] =	ssyncset.done $0x0  }
0x1c5: {  	[sflag:s10] =	ssyncadd.s32 $0xFFFFFF80  }
0x1c6: {  	_ =	sfence.sel $0x180000  }
0x1c7: {  	[bflag:$0x0] =	sbarrier.arrive $0xFFFF  }
0x1c8: {  	_ =	strace $0x90000047  }
0x1c9: {  	s0 =	stileid.u32;
	[bflag:$0x2] =	sbarrier.arrive $0xFFFF  }
0x1ca: {  	p0 =	sne.s32 s0, $0x0;
	s0 =	rddreg [dreg:$0x3]  }
0x1cb: {  	s0 =	sadd.s32 @!p0 $0x100000, s0  }
0x1cc: {  	[sflag:s0] =	ssyncadd.tile.s32 @!p0 $0x1;
	_ =	shalt  }
.Lfunc_end2:
_tile_overlayer_lowered:
.L_overlay_start_2:
0x1cd: {  	(tag) =	ssettag $0x2  }
0x1ce: {  	s0 =	rddreg [dreg:$0x0];
	s2 =	stileid.u32  }
0x1cf: {  	s1 =	rddreg [dreg:$0x1];
	p0 =	sne.s32 s2, $0x0  }
0x1d0: {  	s3 =	rddreg [dreg:$0x2];
	[bflag:$0x3] =	sbarrier.arrive $0xFFFF;
	s2 =	simm.s32 @!p0 $0x1C02  }
0x1d1: {  	[timem:s3], [sflag:s2] =	dma.local @!p0 [hbm:s0], s1  }
0x1d2: {  	s0 =	simm.s32 @!p0 $0x2  }
0x1d3: {  	_ =	swait.ge @!p0 [sflag:s0], s1  }
0x1d4: {  	s1 =	ssub.s32 @!p0 $0x0, s1;
	[sflag:s0] =	ssyncset.done @!p0 $0x0  }
0x1d5: {  	[sflag:s0] =	ssyncadd.s32 @!p0 s1  }
0x1d6: {  	[bflag:$0x3] =	sbarrier.arrive $0xFFFF  }
0x1d7: {  	_ =	shalt  }

</sc_bundles>
